<compile_context>
chip_gen: v7x
topology: tpu7x:2x2x1
jax: 0.10.2.dev20260603
libtpu: 0.0.44.dev20260713+nightly
codegen_flags: <defaults>
</compile_context>

<pallas_src>
import jax
import jax.numpy as jnp
from jax import lax
from jax.experimental import pallas as pl
from jax.experimental.pallas import tpu as pltpu
from jax.experimental.pallas import tpu_sc as plsc

N = 8192
LANES = 16
NCH = N // LANES


def _sc_body(left_hbm, right_hbm, reroll_hbm,
             mask_out, score_out, reroll_out, cnt_out,
             left_v, right_v, aux_v, buf2_v, work_v, marker_v, cnt_v):
    c = lax.axis_index("c")
    s = lax.axis_index("s")

    @pl.when((s == 0) & (c == 0))
    def _reachability():
        pltpu.sync_copy(left_hbm, left_v)
        pltpu.sync_copy(right_hbm, right_v)

        def zero_chunk(i, carry):
            work_v[pl.ds(i * LANES, LANES)] = jnp.zeros((LANES,), jnp.int32)
            return carry

        lax.fori_loop(0, NCH, zero_chunk, 0)
        lanes = lax.broadcasted_iota(jnp.int32, (LANES,), 0)
        work_v[pl.ds(0, LANES)] = (lanes == 0).astype(jnp.int32)

        aux_v[pl.ds(0, LANES)] = jnp.zeros((LANES,), jnp.int32)
        ones = jnp.ones((LANES,), jnp.int32)

        def level(carry):
            total, cnt_f = carry

            def fvec(k, cnt_new):
                valid = lanes < (cnt_f - k * LANES)
                nodes = aux_v[pl.ds(k * LANES, LANES)]
                nodes = jnp.where(valid, nodes, 0)
                lv = plsc.load_gather(left_v, [nodes], mask=valid)
                rv = plsc.load_gather(right_v, [nodes], mask=valid)

                def expand(child, cnt):
                    m = valid & (child >= 0)
                    cc = jnp.where(m, child, 0)
                    g = plsc.load_gather(work_v, [cc], mask=m)
                    cand = m & (g == 0)
                    plsc.store_scatter(marker_v, [cc], lanes, mask=cand)
                    gm = plsc.load_gather(marker_v, [cc], mask=cand)
                    win = cand & (gm == lanes)
                    plsc.store_scatter(work_v, [cc], ones, mask=win)
                    wi = win.astype(jnp.int32)
                    pos = cnt + plsc.cumsum(wi) - 1
                    pos = jnp.where(win, pos, 0)
                    plsc.store_scatter(buf2_v, [pos], cc, mask=win)
                    return cnt + jnp.sum(wi)

                cnt_new = expand(lv, cnt_new)
                cnt_new = expand(rv, cnt_new)
                return cnt_new

            nvec = (cnt_f + LANES - 1) // LANES
            cnt_new = lax.fori_loop(0, nvec, fvec, jnp.int32(0))

            def cpy(k, carry2):
                aux_v[pl.ds(k * LANES, LANES)] = buf2_v[pl.ds(k * LANES, LANES)]
                return carry2

            lax.fori_loop(0, (cnt_new + LANES - 1) // LANES, cpy, 0)
            return (total + cnt_new, cnt_new)

        final_cnt, _ = lax.while_loop(
            lambda tc: tc[1] > 0, level, (jnp.int32(1), jnp.int32(1)))

        cnt_v[...] = jnp.full((LANES,), final_cnt, jnp.int32)
        pltpu.sync_copy(work_v.at[pl.ds(0, N)], mask_out)
        pltpu.sync_copy(cnt_v, cnt_out)

    @pl.when((s == 1) & (c == 0))
    def _leaf_flags():
        pltpu.sync_copy(left_hbm, left_v)
        pltpu.sync_copy(right_hbm, right_v)
        pltpu.sync_copy(reroll_hbm, work_v.at[pl.ds(N, N)])

        def do_chunk(i):
            base = i * LANES
            nid = base + lax.broadcasted_iota(jnp.int32, (LANES,), 0)
            lv = left_v[pl.ds(base, LANES)]
            rv = right_v[pl.ds(base, LANES)]
            work_v[pl.ds(base, LANES)] = jnp.zeros((LANES,), jnp.int32)

            ml = (lv < 0) | (lv > nid)
            mr = (rv < 0) | (rv > nid)
            il = jnp.where(ml, jnp.where(lv < 0, (N - 1) - lv, lv), 0)
            ir = jnp.where(mr, jnp.where(rv < 0, (N - 1) - rv, rv), 0)

            def contrib():
                gl = plsc.load_gather(work_v, [il], mask=ml)
                gr = plsc.load_gather(work_v, [ir], mask=mr)
                gl = jnp.where(ml, gl, 0)
                gr = jnp.where(mr, gr, 0)
                cl = jnp.where(lv < 0, gl + 1, gl)
                cr = jnp.where(rv < 0, gr + 1, gr)
                return cl | cr

            work_v[pl.ds(base, LANES)] = contrib()

            inchunk = ((lv > nid) & (lv < base + LANES)) | \
                      ((rv > nid) & (rv < base + LANES))

            @pl.when(jnp.any(inchunk))
            def _fixpoint():
                def upd(_):
                    v = work_v[pl.ds(base, LANES)]
                    nv = contrib()
                    work_v[pl.ds(base, LANES)] = nv
                    return jnp.any(nv != v)

                lax.while_loop(lambda ch: ch, upd, jnp.bool_(True))

            v = work_v[pl.ds(base, LANES)]
            aux_v[pl.ds(base, LANES)] = v & 1
            buf2_v[pl.ds(base, LANES)] = (v >> 1) & 1

        def sweep(t, carry):
            do_chunk(NCH - 1 - 2 * t)
            do_chunk(NCH - 2 - 2 * t)
            return carry

        lax.fori_loop(0, NCH // 2, sweep, 0)
        pltpu.sync_copy(aux_v, score_out)
        pltpu.sync_copy(buf2_v, reroll_out)


@jax.jit
def _dag_flags(left, right, reroll_i32):
    mesh = plsc.VectorSubcoreMesh(core_axis_name="c", subcore_axis_name="s",
                                  num_cores=1)
    f = pl.kernel(
        _sc_body,
        out_type=(
            jax.ShapeDtypeStruct((N,), jnp.int32),
            jax.ShapeDtypeStruct((N,), jnp.int32),
            jax.ShapeDtypeStruct((N,), jnp.int32),
            jax.ShapeDtypeStruct((LANES,), jnp.int32),
        ),
        mesh=mesh,
        compiler_params=pltpu.CompilerParams(
            needs_layout_passes=False,
            disable_bounds_checks=True,
            skip_device_barrier=True,
        ),
        scratch_types=(
            pltpu.VMEM((N,), jnp.int32),
            pltpu.VMEM((N,), jnp.int32),
            pltpu.VMEM((N,), jnp.int32),
            pltpu.VMEM((N,), jnp.int32),
            pltpu.VMEM((2 * N,), jnp.int32),
            pltpu.VMEM((N,), jnp.int32),
            pltpu.VMEM((LANES,), jnp.int32),
        ),
    )
    return f(left, right, reroll_i32)


def kernel(thresholds, rules, binary_ops, left, right, leaf_is_reroll,
           leaf_mask_left, leaf_mask_right, leaf_mask_op, leaf_score_cat):
    mask_i, score_i, reroll_i, cnt = _dag_flags(
        left, right, leaf_is_reroll.astype(jnp.int32))
    return (mask_i.astype(jnp.bool_), score_i.astype(jnp.bool_),
            reroll_i.astype(jnp.bool_), cnt[0])

# --- scband reference (transcript-rebuilt; emitter-appended) ---
"""Pipeline reference for scband-daggenome-32908039422013 (READ-ONLY COPY).

The authoritative reference and input builder live on the scoring server;
editing this copy changes nothing except your own understanding.
"""

import jax, jax.numpy as jnp
import numpy as np

N = 8192
L = 8192


def setup_inputs(seed: int = 0) -> dict:
    key = jax.random.key(seed)
    ks = jax.random.split(key, 10)
    thresholds = jax.random.normal(ks[0], (N,), dtype=jnp.float32)
    rules = jax.random.randint(ks[1], (N,), 0, 8, dtype=jnp.int32)
    binary_ops = jax.random.randint(ks[2], (N,), 0, 4, dtype=jnp.int32)
    # children: negative values encode leaves (leaf_id = -child - 1), non-negative are node ids
    left = jax.random.randint(ks[3], (N,), -L, N, dtype=jnp.int32)
    right = jax.random.randint(ks[4], (N,), -L, N, dtype=jnp.int32)
    leaf_is_reroll = jax.random.bernoulli(ks[5], 0.5, (L,))
    leaf_mask_left = jax.random.randint(ks[6], (L,), 0, L, dtype=jnp.int32)
    leaf_mask_right = jax.random.randint(ks[7], (L,), 0, L, dtype=jnp.int32)
    leaf_mask_op = jax.random.randint(ks[8], (L,), 0, 4, dtype=jnp.int32)
    leaf_score_cat = jax.random.randint(ks[9], (L,), 0, 16, dtype=jnp.int32)
    return {
        "thresholds": thresholds,
        "rules": rules,
        "binary_ops": binary_ops,
        "left": left,
        "right": right,
        "leaf_is_reroll": leaf_is_reroll,
        "leaf_mask_left": leaf_mask_left,
        "leaf_mask_right": leaf_mask_right,
        "leaf_mask_op": leaf_mask_op,
        "leaf_score_cat": leaf_score_cat,
    }


def reference(thresholds, rules, binary_ops, left, right, leaf_is_reroll,
              leaf_mask_left, leaf_mask_right, leaf_mask_op, leaf_score_cat):
    n_nodes = rules.shape[0]

    # --- get_active_mask ---
    def step(reachable, _):
        active_left = jnp.where(reachable & (left >= 0), left, n_nodes)
        active_right = jnp.where(reachable & (right >= 0), right, n_nodes)
        new_reachable = jnp.zeros(n_nodes + 1, dtype=jnp.bool_)
        new_reachable = new_reachable.at[active_left].set(True)
        new_reachable = new_reachable.at[active_right].set(True)
        new_reachable = new_reachable.at[0].set(True)
        return (new_reachable[:n_nodes] | reachable, None)

    init = jnp.zeros(n_nodes, dtype=jnp.bool_).at[0].set(True)
    active_mask, _ = jax.lax.scan(step, init, None, length=n_nodes)

    # --- get_subtree_leaf_flags ---
    n = n_nodes

    def is_leaf_score(child):
        leaf_id = -child - 1
        is_leaf = child < 0
        is_score = ~leaf_is_reroll[leaf_id]
        return is_leaf & is_score

    def is_leaf_reroll(child):
        leaf_id = -child - 1
        is_leaf = child < 0
        is_reroll = leaf_is_reroll[leaf_id]
        return is_leaf & is_reroll

    def step2(carry, i):
        has_score, has_reroll = carry
        node = n - 1 - i
        l, r = left[node], right[node]

        def child_has_score(child):
            from_leaf = is_leaf_score(child)
            from_node = jnp.where(child >= 0, has_score[child], False)
            return from_leaf | from_node

        def child_has_reroll(child):
            from_leaf = is_leaf_reroll(child)
            from_node = jnp.where(child >= 0, has_reroll[child], False)
            return from_leaf | from_node

        node_has_score = child_has_score(l) | child_has_score(r)
        node_has_reroll = child_has_reroll(l) | child_has_reroll(r)
        has_score = has_score.at[node].set(node_has_score)
        has_reroll = has_reroll.at[node].set(node_has_reroll)
        return ((has_score, has_reroll), None)

    init2 = (jnp.zeros(n, dtype=jnp.bool_), jnp.zeros(n, dtype=jnp.bool_))
    (has_score, has_reroll), _ = jax.lax.scan(step2, init2, jnp.arange(n))

    active_node_count = jnp.sum(active_mask)
    return (active_mask, has_score, has_reroll, active_node_count)

if __name__ == "__main__":
    import jax
    _d = setup_inputs()
    print(jax.jit(kernel)(*tuple(_d.values())))

</pallas_src>

<mosaic_0001>
#map = affine_map<(d0, d1) -> (0)>
module attributes {stable_mosaic.version = 14 : i64} {
  func.func @_sc_body(%arg0: i32, %arg1: i32, %arg2: memref<8192xi32, #tpu.memory_space<hbm>>, %arg3: memref<8192xi32, #tpu.memory_space<hbm>>, %arg4: memref<8192xi32, #tpu.memory_space<hbm>>, %arg5: memref<8192xi32, #tpu.memory_space<hbm>>, %arg6: memref<8192xi32, #tpu.memory_space<hbm>>, %arg7: memref<8192xi32, #tpu.memory_space<hbm>>, %arg8: memref<16xi32, #tpu.memory_space<hbm>>, %arg9: memref<8192xi32, #tpu.memory_space<vmem>>, %arg10: memref<8192xi32, #tpu.memory_space<vmem>>, %arg11: memref<8192xi32, #tpu.memory_space<vmem>>, %arg12: memref<8192xi32, #tpu.memory_space<vmem>>, %arg13: memref<16384xi32, #tpu.memory_space<vmem>>, %arg14: memref<8192xi32, #tpu.memory_space<vmem>>, %arg15: memref<16xi32, #tpu.memory_space<vmem>>) attributes {dimension_semantics = [#tpu.dimension_semantics<core_parallel>, #tpu.dimension_semantics<subcore_parallel>], iteration_bounds = array<i64: 1, 16>, scalar_prefetch = 0 : i64, scratch_operands = 7 : i64, tpu.core_type = #tpu.core_type<sc_vector_subcore>, window_params = [{transform_indices = #map}, {transform_indices = #map}, {transform_indices = #map}, {transform_indices = #map}, {transform_indices = #map}, {transform_indices = #map}, {transform_indices = #map}]} {
    %eq3A = arith.constant 0 : i32
    %eq3A_0 = arith.cmpi eq, %arg1, %eq3A : i32
    %eq3A_1 = arith.constant 0 : i32
    %eq3A_2 = arith.cmpi eq, %arg0, %eq3A_1 : i32
    %and3A = arith.andi %eq3A_0, %eq3A_2 : i1
    %convert_element_type3A = arith.extui %and3A : i1 to i32
    %cond3A = arith.constant 0 : i32
    %cond3A_3 = arith.cmpi ne, %convert_element_type3A, %cond3A : i32
    scf.if %cond3A_3 {
      "tpu.region"() ({
        %run_scoped3A = tpu.sem_alloc : memref<!tpu.dma_semaphore, #tpu.memory_space<semaphore_mem>>
        tpu.enqueue_dma source(%arg2 : memref<8192xi32, #tpu.memory_space<hbm>>) target(%arg9 : memref<8192xi32, #tpu.memory_space<vmem>>) target_semaphore(%run_scoped3A : memref<!tpu.dma_semaphore, #tpu.memory_space<semaphore_mem>>)
        tpu.wait_dma2 semaphore(%run_scoped3A : memref<!tpu.dma_semaphore, #tpu.memory_space<semaphore_mem>>) src(%arg2 : memref<8192xi32, #tpu.memory_space<hbm>>) dst(%arg9 : memref<8192xi32, #tpu.memory_space<vmem>>)
        tpu.yield
      }) : () -> ()
      "tpu.region"() ({
        %run_scoped3A = tpu.sem_alloc : memref<!tpu.dma_semaphore, #tpu.memory_space<semaphore_mem>>
        tpu.enqueue_dma source(%arg3 : memref<8192xi32, #tpu.memory_space<hbm>>) target(%arg10 : memref<8192xi32, #tpu.memory_space<vmem>>) target_semaphore(%run_scoped3A : memref<!tpu.dma_semaphore, #tpu.memory_space<semaphore_mem>>)
        tpu.wait_dma2 semaphore(%run_scoped3A : memref<!tpu.dma_semaphore, #tpu.memory_space<semaphore_mem>>) src(%arg3 : memref<8192xi32, #tpu.memory_space<hbm>>) dst(%arg10 : memref<8192xi32, #tpu.memory_space<vmem>>)
        tpu.yield
      }) : () -> ()
      %scan3A = arith.constant 0 : i32
      %scan3A_12 = arith.constant 0 : i32
      %scan3A_13 = arith.constant 512 : i32
      %scan3A_14 = arith.addi %scan3A_12, %scan3A_13 : i32
      %scan3A_15 = arith.constant 1 : i32
      scf.for %scan3A_32 = %scan3A_12 to %scan3A_14 step %scan3A_15  : i32 {
        %broadcast_in_dim3A_33 = arith.constant 0 : i32
        %broadcast_in_dim3A_34 = vector.broadcast %broadcast_in_dim3A_33 : i32 to vector<16xi32>
        %mul3A = arith.constant 16 : i32
        %mul3A_35 = arith.muli %scan3A_32, %mul3A : i32
        %swap3A_36 = arith.index_cast %mul3A_35 : i32 to index
        %swap3A_37 = tpu.vector_load %arg13[%swap3A_36] {strides = array<i32>} : memref<16384xi32, #tpu.memory_space<vmem>>, vector<16xi32>,
        tpu.vector_store %arg13[%swap3A_36], %broadcast_in_dim3A_34 {strides = array<i32>} : memref<16384xi32, #tpu.memory_space<vmem>>, vector<16xi32>,
      }
      %scan3A_16 = arith.constant 512 : i32
      %iota3A = tpu.iota {dimensions = array<i32: 0>} : vector<16xi32>
      %eq3A_17 = arith.constant 0 : i32
      %eq3A_18 = vector.broadcast %eq3A_17 : i32 to vector<16xi32>
      %eq3A_19 = arith.cmpi eq, %iota3A, %eq3A_18 : vector<16xi32>
      %convert_element_type3A_20 = arith.extui %eq3A_19 : vector<16xi1> to vector<16xi32>
      %swap3A = arith.constant 0 : index
      %swap3A_21 = tpu.vector_load %arg13[%swap3A] {strides = array<i32>} : memref<16384xi32, #tpu.memory_space<vmem>>, vector<16xi32>,
      tpu.vector_store %arg13[%swap3A], %convert_element_type3A_20 {strides = array<i32>} : memref<16384xi32, #tpu.memory_space<vmem>>, vector<16xi32>,
      %broadcast_in_dim3A = arith.constant 0 : i32
      %broadcast_in_dim3A_22 = vector.broadcast %broadcast_in_dim3A : i32 to vector<16xi32>
      %swap3A_23 = arith.constant 0 : index
      %swap3A_24 = tpu.vector_load %arg11[%swap3A_23] {strides = array<i32>} : memref<8192xi32, #tpu.memory_space<vmem>>, vector<16xi32>,
      tpu.vector_store %arg11[%swap3A_23], %broadcast_in_dim3A_22 {strides = array<i32>} : memref<8192xi32, #tpu.memory_space<vmem>>, vector<16xi32>,
      %broadcast_in_dim3A_25 = arith.constant 1 : i32
      %broadcast_in_dim3A_26 = vector.broadcast %broadcast_in_dim3A_25 : i32 to vector<16xi32>
      %while3A = arith.constant 1 : i32
      %while3A_27 = arith.constant 1 : i32
      %while3A_28:2 = scf.while (%while3A_32 = %while3A, %while3A_33 = %while3A_27) : (i32, i32) -> (i32, i32) {
        %gt3A = arith.constant 0 : i32
        %gt3A_34 = arith.cmpi sgt, %while3A_33, %gt3A : i32
        scf.condition(%gt3A_34) %while3A_32, %while3A_33 : i32, i32
      } do {
      ^bb0(%while3A_32: i32, %while3A_33: i32):
        %add3A = arith.constant 16 : i32
        %add3A_34 = arith.addi %while3A_33, %add3A : i32
        %sub3A = arith.constant 1 : i32
        %sub3A_35 = arith.subi %add3A_34, %sub3A : i32
        %jit3A = arith.constant 16 : i32
        %div3A = arith.divsi %sub3A_35, %jit3A : i32
        %sign3A = arith.constant 0 : i32
        %sign3A_36 = arith.cmpi sgt, %sub3A_35, %sign3A : i32
        %sign3A_37 = arith.extui %sign3A_36 : i1 to i32
        %sign3A_38 = arith.constant 0 : i32
        %sign3A_39 = arith.cmpi slt, %sub3A_35, %sign3A_38 : i32
        %sign3A_40 = arith.extui %sign3A_39 : i1 to i32
        %sign3A_41 = arith.subi %sign3A_37, %sign3A_40 : i32
        %sign3A_42 = arith.constant 0 : i32
        %sign3A_43 = arith.cmpi sgt, %jit3A, %sign3A_42 : i32
        %sign3A_44 = arith.extui %sign3A_43 : i1 to i32
        %sign3A_45 = arith.constant 0 : i32
        %sign3A_46 = arith.cmpi slt, %jit3A, %sign3A_45 : i32
        %sign3A_47 = arith.extui %sign3A_46 : i1 to i32
        %sign3A_48 = arith.subi %sign3A_44, %sign3A_47 : i32
        %ne3A = arith.cmpi ne, %sign3A_41, %sign3A_48 : i32
        %rem3A = arith.remsi %sub3A_35, %jit3A : i32
        %ne3A_49 = arith.constant 0 : i32
        %ne3A_50 = arith.cmpi ne, %rem3A, %ne3A_49 : i32
        %and3A_51 = arith.andi %ne3A, %ne3A_50 : i1
        %sub3A_52 = arith.constant 1 : i32
        %sub3A_53 = arith.subi %div3A, %sub3A_52 : i32
        %select_n3A = arith.select %and3A_51, %sub3A_53, %div3A : i32
        %while3A_54 = arith.constant 0 : i32
        %while3A_55 = arith.constant 0 : i32
        %while3A_56 = arith.subi %select_n3A, %while3A_54 : i32
        %while3A_57 = arith.addi %while3A_54, %while3A_56 : i32
        %while3A_58 = arith.constant 1 : i32
        %while3A_59 = arith.divsi %while3A_56, %while3A_58 : i32
        %while3A_60 = arith.muli %while3A_59, %while3A_58 : i32
        %while3A_61 = arith.addi %while3A_54, %while3A_60 : i32
        %while3A_62 = arith.constant 1 : i32
        %while3A_63 = scf.for %while3A_105 = %while3A_54 to %while3A_61 step %while3A_62 iter_args(%while3A_106 = %while3A_55) -> (i32)  : i32 {
          %mul3A = arith.constant 16 : i32
          %mul3A_107 = arith.muli %while3A_105, %mul3A : i32
          %sub3A_108 = arith.subi %while3A_33, %mul3A_107 : i32
          %lt3A = vector.broadcast %sub3A_108 : i32 to vector<16xi32>
          %lt3A_109 = arith.cmpi slt, %iota3A, %lt3A : vector<16xi32>
          %mul3A_110 = arith.constant 16 : i32
          %mul3A_111 = arith.muli %while3A_105, %mul3A_110 : i32
          %get3A = arith.index_cast %mul3A_111 : i32 to index
          %get3A_112 = tpu.vector_load %arg11[%get3A] {strides = array<i32>} : memref<8192xi32, #tpu.memory_space<vmem>>, vector<16xi32>,
          %jit3A_113 = arith.constant 0 : i32
          %broadcast_in_dim3A_114 = vector.broadcast %jit3A_113 : i32 to vector<16xi32>
          %select_n3A_115 = arith.select %lt3A_109, %get3A_112, %broadcast_in_dim3A_114 : vector<16xi1>, vector<16xi32>
          %gather3A = tpu.vector_load_idx %arg9[%select_n3A_115] masked %lt3A_109 : memref<8192xi32, #tpu.memory_space<vmem>>[vector<16xi32>], vector<16xi32>, vector<16xi1>
          %gather3A_116 = tpu.vector_load_idx %arg10[%select_n3A_115] masked %lt3A_109 : memref<8192xi32, #tpu.memory_space<vmem>>[vector<16xi32>], vector<16xi32>, vector<16xi1>
          %ge3A = arith.constant 0 : i32
          %ge3A_117 = vector.broadcast %ge3A : i32 to vector<16xi32>
          %ge3A_118 = arith.cmpi sge, %gather3A, %ge3A_117 : vector<16xi32>
          %and3A_119 = arith.andi %lt3A_109, %ge3A_118 : vector<16xi1>
          %jit3A_120 = arith.constant 0 : i32
          %broadcast_in_dim3A_121 = vector.broadcast %jit3A_120 : i32 to vector<16xi32>
          %select_n3A_122 = arith.select %and3A_119, %gather3A, %broadcast_in_dim3A_121 : vector<16xi1>, vector<16xi32>
          %gather3A_123 = tpu.vector_load_idx %arg13[%select_n3A_122] masked %and3A_119 : memref<16384xi32, #tpu.memory_space<vmem>>[vector<16xi32>], vector<16xi32>, vector<16xi1>
          %eq3A_124 = arith.constant 0 : i32
          %eq3A_125 = vector.broadcast %eq3A_124 : i32 to vector<16xi32>
          %eq3A_126 = arith.cmpi eq, %gather3A_123, %eq3A_125 : vector<16xi32>
          %and3A_127 = arith.andi %and3A_119, %eq3A_126 : vector<16xi1>
          tpu.vector_store_idx %arg14[%select_n3A_122], %iota3A masked %and3A_127 : memref<8192xi32, #tpu.memory_space<vmem>>[vector<16xi32>], vector<16xi32>, vector<16xi1>
          %gather3A_128 = tpu.vector_load_idx %arg14[%select_n3A_122] masked %and3A_127 : memref<8192xi32, #tpu.memory_space<vmem>>[vector<16xi32>], vector<16xi32>, vector<16xi1>
          %eq3A_129 = arith.cmpi eq, %gather3A_128, %iota3A : vector<16xi32>
          %and3A_130 = arith.andi %and3A_127, %eq3A_129 : vector<16xi1>
          tpu.vector_store_idx %arg13[%select_n3A_122], %broadcast_in_dim3A_26 masked %and3A_130 : memref<16384xi32, #tpu.memory_space<vmem>>[vector<16xi32>], vector<16xi32>, vector<16xi1>
          %convert_element_type3A_131 = arith.extui %and3A_130 : vector<16xi1> to vector<16xi32>
          %broadcast_in_dim3A_132 = arith.constant true
          %broadcast_in_dim3A_133 = vector.broadcast %broadcast_in_dim3A_132 : i1 to vector<16xi1>
          %masked_cumsum3A = tpu.scan <sum>, %convert_element_type3A_131 masked %broadcast_in_dim3A_133 : vector<16xi32>, vector<16xi1> -> vector<16xi32>
          %add3A_134 = vector.broadcast %while3A_106 : i32 to vector<16xi32>
          %add3A_135 = arith.addi %add3A_134, %masked_cumsum3A : vector<16xi32>
          %sub3A_136 = arith.constant 1 : i32
          %sub3A_137 = vector.broadcast %sub3A_136 : i32 to vector<16xi32>
          %sub3A_138 = arith.subi %add3A_135, %sub3A_137 : vector<16xi32>
          %jit3A_139 = arith.constant 0 : i32
          %broadcast_in_dim3A_140 = vector.broadcast %jit3A_139 : i32 to vector<16xi32>
          %select_n3A_141 = arith.select %and3A_130, %sub3A_138, %broadcast_in_dim3A_140 : vector<16xi1>, vector<16xi32>
          tpu.vector_store_idx %arg12[%select_n3A_141], %select_n3A_122 masked %and3A_130 : memref<8192xi32, #tpu.memory_space<vmem>>[vector<16xi32>], vector<16xi32>, vector<16xi1>
          %reduce_sum3A = arith.constant true
          %reduce_sum3A_142 = vector.broadcast %reduce_sum3A : i1 to vector<16xi1>
          %reduce_sum3A_143 = tpu.scan <sum>, %convert_element_type3A_131 masked %reduce_sum3A_142 : vector<16xi32>, vector<16xi1> -> vector<16xi32>
          %reduce_sum3A_144 = vector.extract %reduce_sum3A_143[15] : i32 from vector<16xi32>
          %add3A_145 = arith.addi %while3A_106, %reduce_sum3A_144 : i32
          %ge3A_146 = arith.constant 0 : i32
          %ge3A_147 = vector.broadcast %ge3A_146 : i32 to vector<16xi32>
          %ge3A_148 = arith.cmpi sge, %gather3A_116, %ge3A_147 : vector<16xi32>
          %and3A_149 = arith.andi %lt3A_109, %ge3A_148 : vector<16xi1>
          %jit3A_150 = arith.constant 0 : i32
          %broadcast_in_dim3A_151 = vector.broadcast %jit3A_150 : i32 to vector<16xi32>
          %select_n3A_152 = arith.select %and3A_149, %gather3A_116, %broadcast_in_dim3A_151 : vector<16xi1>, vector<16xi32>
          %gather3A_153 = tpu.vector_load_idx %arg13[%select_n3A_152] masked %and3A_149 : memref<16384xi32, #tpu.memory_space<vmem>>[vector<16xi32>], vector<16xi32>, vector<16xi1>
          %eq3A_154 = arith.constant 0 : i32
          %eq3A_155 = vector.broadcast %eq3A_154 : i32 to vector<16xi32>
          %eq3A_156 = arith.cmpi eq, %gather3A_153, %eq3A_155 : vector<16xi32>
          %and3A_157 = arith.andi %and3A_149, %eq3A_156 : vector<16xi1>
          tpu.vector_store_idx %arg14[%select_n3A_152], %iota3A masked %and3A_157 : memref<8192xi32, #tpu.memory_space<vmem>>[vector<16xi32>], vector<16xi32>, vector<16xi1>
          %gather3A_158 = tpu.vector_load_idx %arg14[%select_n3A_152] masked %and3A_157 : memref<8192xi32, #tpu.memory_space<vmem>>[vector<16xi32>], vector<16xi32>, vector<16xi1>
          %eq3A_159 = arith.cmpi eq, %gather3A_158, %iota3A : vector<16xi32>
          %and3A_160 = arith.andi %and3A_157, %eq3A_159 : vector<16xi1>
          tpu.vector_store_idx %arg13[%select_n3A_152], %broadcast_in_dim3A_26 masked %and3A_160 : memref<16384xi32, #tpu.memory_space<vmem>>[vector<16xi32>], vector<16xi32>, vector<16xi1>
          %convert_element_type3A_161 = arith.extui %and3A_160 : vector<16xi1> to vector<16xi32>
          %broadcast_in_dim3A_162 = arith.constant true
          %broadcast_in_dim3A_163 = vector.broadcast %broadcast_in_dim3A_162 : i1 to vector<16xi1>
          %masked_cumsum3A_164 = tpu.scan <sum>, %convert_element_type3A_161 masked %broadcast_in_dim3A_163 : vector<16xi32>, vector<16xi1> -> vector<16xi32>
          %add3A_165 = vector.broadcast %add3A_145 : i32 to vector<16xi32>
          %add3A_166 = arith.addi %add3A_165, %masked_cumsum3A_164 : vector<16xi32>
          %sub3A_167 = arith.constant 1 : i32
          %sub3A_168 = vector.broadcast %sub3A_167 : i32 to vector<16xi32>
          %sub3A_169 = arith.subi %add3A_166, %sub3A_168 : vector<16xi32>
          %jit3A_170 = arith.constant 0 : i32
          %broadcast_in_dim3A_171 = vector.broadcast %jit3A_170 : i32 to vector<16xi32>
          %select_n3A_172 = arith.select %and3A_160, %sub3A_169, %broadcast_in_dim3A_171 : vector<16xi1>, vector<16xi32>
          tpu.vector_store_idx %arg12[%select_n3A_172], %select_n3A_152 masked %and3A_160 : memref<8192xi32, #tpu.memory_space<vmem>>[vector<16xi32>], vector<16xi32>, vector<16xi1>
          %reduce_sum3A_173 = arith.constant true
          %reduce_sum3A_174 = vector.broadcast %reduce_sum3A_173 : i1 to vector<16xi1>
          %reduce_sum3A_175 = tpu.scan <sum>, %convert_element_type3A_161 masked %reduce_sum3A_174 : vector<16xi32>, vector<16xi1> -> vector<16xi32>
          %reduce_sum3A_176 = vector.extract %reduce_sum3A_175[15] : i32 from vector<16xi32>
          %add3A_177 = arith.addi %add3A_145, %reduce_sum3A_176 : i32
          scf.yield %add3A_177 : i32
        }
        %while3A_64 = arith.constant 1 : i32
        %while3A_65 = scf.for %while3A_105 = %while3A_61 to %while3A_57 step %while3A_64 iter_args(%while3A_106 = %while3A_63) -> (i32)  : i32 {
          %mul3A = arith.constant 16 : i32
          %mul3A_107 = arith.muli %while3A_105, %mul3A : i32
          %sub3A_108 = arith.subi %while3A_33, %mul3A_107 : i32
          %lt3A = vector.broadcast %sub3A_108 : i32 to vector<16xi32>
          %lt3A_109 = arith.cmpi slt, %iota3A, %lt3A : vector<16xi32>
          %mul3A_110 = arith.constant 16 : i32
          %mul3A_111 = arith.muli %while3A_105, %mul3A_110 : i32
          %get3A = arith.index_cast %mul3A_111 : i32 to index
          %get3A_112 = tpu.vector_load %arg11[%get3A] {strides = array<i32>} : memref<8192xi32, #tpu.memory_space<vmem>>, vector<16xi32>,
          %jit3A_113 = arith.constant 0 : i32
          %broadcast_in_dim3A_114 = vector.broadcast %jit3A_113 : i32 to vector<16xi32>
          %select_n3A_115 = arith.select %lt3A_109, %get3A_112, %broadcast_in_dim3A_114 : vector<16xi1>, vector<16xi32>
          %gather3A = tpu.vector_load_idx %arg9[%select_n3A_115] masked %lt3A_109 : memref<8192xi32, #tpu.memory_space<vmem>>[vector<16xi32>], vector<16xi32>, vector<16xi1>
          %gather3A_116 = tpu.vector_load_idx %arg10[%select_n3A_115] masked %lt3A_109 : memref<8192xi32, #tpu.memory_space<vmem>>[vector<16xi32>], vector<16xi32>, vector<16xi1>
          %ge3A = arith.constant 0 : i32
          %ge3A_117 = vector.broadcast %ge3A : i32 to vector<16xi32>
          %ge3A_118 = arith.cmpi sge, %gather3A, %ge3A_117 : vector<16xi32>
          %and3A_119 = arith.andi %lt3A_109, %ge3A_118 : vector<16xi1>
          %jit3A_120 = arith.constant 0 : i32
          %broadcast_in_dim3A_121 = vector.broadcast %jit3A_120 : i32 to vector<16xi32>
          %select_n3A_122 = arith.select %and3A_119, %gather3A, %broadcast_in_dim3A_121 : vector<16xi1>, vector<16xi32>
          %gather3A_123 = tpu.vector_load_idx %arg13[%select_n3A_122] masked %and3A_119 : memref<16384xi32, #tpu.memory_space<vmem>>[vector<16xi32>], vector<16xi32>, vector<16xi1>
          %eq3A_124 = arith.constant 0 : i32
          %eq3A_125 = vector.broadcast %eq3A_124 : i32 to vector<16xi32>
          %eq3A_126 = arith.cmpi eq, %gather3A_123, %eq3A_125 : vector<16xi32>
          %and3A_127 = arith.andi %and3A_119, %eq3A_126 : vector<16xi1>
          tpu.vector_store_idx %arg14[%select_n3A_122], %iota3A masked %and3A_127 : memref<8192xi32, #tpu.memory_space<vmem>>[vector<16xi32>], vector<16xi32>, vector<16xi1>
          %gather3A_128 = tpu.vector_load_idx %arg14[%select_n3A_122] masked %and3A_127 : memref<8192xi32, #tpu.memory_space<vmem>>[vector<16xi32>], vector<16xi32>, vector<16xi1>
          %eq3A_129 = arith.cmpi eq, %gather3A_128, %iota3A : vector<16xi32>
          %and3A_130 = arith.andi %and3A_127, %eq3A_129 : vector<16xi1>
          tpu.vector_store_idx %arg13[%select_n3A_122], %broadcast_in_dim3A_26 masked %and3A_130 : memref<16384xi32, #tpu.memory_space<vmem>>[vector<16xi32>], vector<16xi32>, vector<16xi1>
          %convert_element_type3A_131 = arith.extui %and3A_130 : vector<16xi1> to vector<16xi32>
          %broadcast_in_dim3A_132 = arith.constant true
          %broadcast_in_dim3A_133 = vector.broadcast %broadcast_in_dim3A_132 : i1 to vector<16xi1>
          %masked_cumsum3A = tpu.scan <sum>, %convert_element_type3A_131 masked %broadcast_in_dim3A_133 : vector<16xi32>, vector<16xi1> -> vector<16xi32>
          %add3A_134 = vector.broadcast %while3A_106 : i32 to vector<16xi32>
          %add3A_135 = arith.addi %add3A_134, %masked_cumsum3A : vector<16xi32>
          %sub3A_136 = arith.constant 1 : i32
          %sub3A_137 = vector.broadcast %sub3A_136 : i32 to vector<16xi32>
          %sub3A_138 = arith.subi %add3A_135, %sub3A_137 : vector<16xi32>
          %jit3A_139 = arith.constant 0 : i32
          %broadcast_in_dim3A_140 = vector.broadcast %jit3A_139 : i32 to vector<16xi32>
          %select_n3A_141 = arith.select %and3A_130, %sub3A_138, %broadcast_in_dim3A_140 : vector<16xi1>, vector<16xi32>
          tpu.vector_store_idx %arg12[%select_n3A_141], %select_n3A_122 masked %and3A_130 : memref<8192xi32, #tpu.memory_space<vmem>>[vector<16xi32>], vector<16xi32>, vector<16xi1>
          %reduce_sum3A = arith.constant true
          %reduce_sum3A_142 = vector.broadcast %reduce_sum3A : i1 to vector<16xi1>
          %reduce_sum3A_143 = tpu.scan <sum>, %convert_element_type3A_131 masked %reduce_sum3A_142 : vector<16xi32>, vector<16xi1> -> vector<16xi32>
          %reduce_sum3A_144 = vector.extract %reduce_sum3A_143[15] : i32 from vector<16xi32>
          %add3A_145 = arith.addi %while3A_106, %reduce_sum3A_144 : i32
          %ge3A_146 = arith.constant 0 : i32
          %ge3A_147 = vector.broadcast %ge3A_146 : i32 to vector<16xi32>
          %ge3A_148 = arith.cmpi sge, %gather3A_116, %ge3A_147 : vector<16xi32>
          %and3A_149 = arith.andi %lt3A_109, %ge3A_148 : vector<16xi1>
          %jit3A_150 = arith.constant 0 : i32
          %broadcast_in_dim3A_151 = vector.broadcast %jit3A_150 : i32 to vector<16xi32>
          %select_n3A_152 = arith.select %and3A_149, %gather3A_116, %broadcast_in_dim3A_151 : vector<16xi1>, vector<16xi32>
          %gather3A_153 = tpu.vector_load_idx %arg13[%select_n3A_152] masked %and3A_149 : memref<16384xi32, #tpu.memory_space<vmem>>[vector<16xi32>], vector<16xi32>, vector<16xi1>
          %eq3A_154 = arith.constant 0 : i32
          %eq3A_155 = vector.broadcast %eq3A_154 : i32 to vector<16xi32>
          %eq3A_156 = arith.cmpi eq, %gather3A_153, %eq3A_155 : vector<16xi32>
          %and3A_157 = arith.andi %and3A_149, %eq3A_156 : vector<16xi1>
          tpu.vector_store_idx %arg14[%select_n3A_152], %iota3A masked %and3A_157 : memref<8192xi32, #tpu.memory_space<vmem>>[vector<16xi32>], vector<16xi32>, vector<16xi1>
          %gather3A_158 = tpu.vector_load_idx %arg14[%select_n3A_152] masked %and3A_157 : memref<8192xi32, #tpu.memory_space<vmem>>[vector<16xi32>], vector<16xi32>, vector<16xi1>
          %eq3A_159 = arith.cmpi eq, %gather3A_158, %iota3A : vector<16xi32>
          %and3A_160 = arith.andi %and3A_157, %eq3A_159 : vector<16xi1>
          tpu.vector_store_idx %arg13[%select_n3A_152], %broadcast_in_dim3A_26 masked %and3A_160 : memref<16384xi32, #tpu.memory_space<vmem>>[vector<16xi32>], vector<16xi32>, vector<16xi1>
          %convert_element_type3A_161 = arith.extui %and3A_160 : vector<16xi1> to vector<16xi32>
          %broadcast_in_dim3A_162 = arith.constant true
          %broadcast_in_dim3A_163 = vector.broadcast %broadcast_in_dim3A_162 : i1 to vector<16xi1>
          %masked_cumsum3A_164 = tpu.scan <sum>, %convert_element_type3A_161 masked %broadcast_in_dim3A_163 : vector<16xi32>, vector<16xi1> -> vector<16xi32>
          %add3A_165 = vector.broadcast %add3A_145 : i32 to vector<16xi32>
          %add3A_166 = arith.addi %add3A_165, %masked_cumsum3A_164 : vector<16xi32>
          %sub3A_167 = arith.constant 1 : i32
          %sub3A_168 = vector.broadcast %sub3A_167 : i32 to vector<16xi32>
          %sub3A_169 = arith.subi %add3A_166, %sub3A_168 : vector<16xi32>
          %jit3A_170 = arith.constant 0 : i32
          %broadcast_in_dim3A_171 = vector.broadcast %jit3A_170 : i32 to vector<16xi32>
          %select_n3A_172 = arith.select %and3A_160, %sub3A_169, %broadcast_in_dim3A_171 : vector<16xi1>, vector<16xi32>
          tpu.vector_store_idx %arg12[%select_n3A_172], %select_n3A_152 masked %and3A_160 : memref<8192xi32, #tpu.memory_space<vmem>>[vector<16xi32>], vector<16xi32>, vector<16xi1>
          %reduce_sum3A_173 = arith.constant true
          %reduce_sum3A_174 = vector.broadcast %reduce_sum3A_173 : i1 to vector<16xi1>
          %reduce_sum3A_175 = tpu.scan <sum>, %convert_element_type3A_161 masked %reduce_sum3A_174 : vector<16xi32>, vector<16xi1> -> vector<16xi32>
          %reduce_sum3A_176 = vector.extract %reduce_sum3A_175[15] : i32 from vector<16xi32>
          %add3A_177 = arith.addi %add3A_145, %reduce_sum3A_176 : i32
          scf.yield %add3A_177 : i32
        }
        %add3A_66 = arith.constant 16 : i32
        %add3A_67 = arith.addi %while3A_65, %add3A_66 : i32
        %sub3A_68 = arith.constant 1 : i32
        %sub3A_69 = arith.subi %add3A_67, %sub3A_68 : i32
        %jit3A_70 = arith.constant 16 : i32
        %div3A_71 = arith.divsi %sub3A_69, %jit3A_70 : i32
        %sign3A_72 = arith.constant 0 : i32
        %sign3A_73 = arith.cmpi sgt, %sub3A_69, %sign3A_72 : i32
        %sign3A_74 = arith.extui %sign3A_73 : i1 to i32
        %sign3A_75 = arith.constant 0 : i32
        %sign3A_76 = arith.cmpi slt, %sub3A_69, %sign3A_75 : i32
        %sign3A_77 = arith.extui %sign3A_76 : i1 to i32
        %sign3A_78 = arith.subi %sign3A_74, %sign3A_77 : i32
        %sign3A_79 = arith.constant 0 : i32
        %sign3A_80 = arith.cmpi sgt, %jit3A_70, %sign3A_79 : i32
        %sign3A_81 = arith.extui %sign3A_80 : i1 to i32
        %sign3A_82 = arith.constant 0 : i32
        %sign3A_83 = arith.cmpi slt, %jit3A_70, %sign3A_82 : i32
        %sign3A_84 = arith.extui %sign3A_83 : i1 to i32
        %sign3A_85 = arith.subi %sign3A_81, %sign3A_84 : i32
        %ne3A_86 = arith.cmpi ne, %sign3A_78, %sign3A_85 : i32
        %rem3A_87 = arith.remsi %sub3A_69, %jit3A_70 : i32
        %ne3A_88 = arith.constant 0 : i32
        %ne3A_89 = arith.cmpi ne, %rem3A_87, %ne3A_88 : i32
        %and3A_90 = arith.andi %ne3A_86, %ne3A_89 : i1
        %sub3A_91 = arith.constant 1 : i32
        %sub3A_92 = arith.subi %div3A_71, %sub3A_91 : i32
        %select_n3A_93 = arith.select %and3A_90, %sub3A_92, %div3A_71 : i32
        %while3A_94 = arith.constant 0 : i32
        %while3A_95 = arith.constant 0 : i32
        %while3A_96 = arith.subi %select_n3A_93, %while3A_95 : i32
        %while3A_97 = arith.addi %while3A_95, %while3A_96 : i32
        %while3A_98 = arith.constant 1 : i32
        %while3A_99 = arith.divsi %while3A_96, %while3A_98 : i32
        %while3A_100 = arith.muli %while3A_99, %while3A_98 : i32
        %while3A_101 = arith.addi %while3A_95, %while3A_100 : i32
        %while3A_102 = arith.constant 1 : i32
        scf.for %while3A_105 = %while3A_95 to %while3A_101 step %while3A_102  : i32 {
          %mul3A = arith.constant 16 : i32
          %mul3A_106 = arith.muli %while3A_105, %mul3A : i32
          %get3A = arith.index_cast %mul3A_106 : i32 to index
          %get3A_107 = tpu.vector_load %arg12[%get3A] {strides = array<i32>} : memref<8192xi32, #tpu.memory_space<vmem>>, vector<16xi32>,
          %mul3A_108 = arith.constant 16 : i32
          %mul3A_109 = arith.muli %while3A_105, %mul3A_108 : i32
          %swap3A_110 = arith.index_cast %mul3A_109 : i32 to index
          %swap3A_111 = tpu.vector_load %arg11[%swap3A_110] {strides = array<i32>} : memref<8192xi32, #tpu.memory_space<vmem>>, vector<16xi32>,
          tpu.vector_store %arg11[%swap3A_110], %get3A_107 {strides = array<i32>} : memref<8192xi32, #tpu.memory_space<vmem>>, vector<16xi32>,
        }
        %while3A_103 = arith.constant 1 : i32
        scf.for %while3A_105 = %while3A_101 to %while3A_97 step %while3A_103  : i32 {
          %mul3A = arith.constant 16 : i32
          %mul3A_106 = arith.muli %while3A_105, %mul3A : i32
          %get3A = arith.index_cast %mul3A_106 : i32 to index
          %get3A_107 = tpu.vector_load %arg12[%get3A] {strides = array<i32>} : memref<8192xi32, #tpu.memory_space<vmem>>, vector<16xi32>,
          %mul3A_108 = arith.constant 16 : i32
          %mul3A_109 = arith.muli %while3A_105, %mul3A_108 : i32
          %swap3A_110 = arith.index_cast %mul3A_109 : i32 to index
          %swap3A_111 = tpu.vector_load %arg11[%swap3A_110] {strides = array<i32>} : memref<8192xi32, #tpu.memory_space<vmem>>, vector<16xi32>,
          tpu.vector_store %arg11[%swap3A_110], %get3A_107 {strides = array<i32>} : memref<8192xi32, #tpu.memory_space<vmem>>, vector<16xi32>,
        }
        %add3A_104 = arith.addi %while3A_32, %while3A_65 : i32
        scf.yield %add3A_104, %while3A_65 : i32, i32
      }
      %broadcast_in_dim3A_29 = vector.broadcast %while3A_28#0 : i32 to vector<16xi32>
      %swap3A_30 = arith.constant 0 : index
      %swap3A_31 = tpu.vector_load %arg15[%swap3A_30] {strides = array<i32>} : memref<16xi32, #tpu.memory_space<vmem>>, vector<16xi32>,
      tpu.vector_store %arg15[%swap3A_30], %broadcast_in_dim3A_29 {strides = array<i32>} : memref<16xi32, #tpu.memory_space<vmem>>, vector<16xi32>,
      "tpu.region"() ({
        %run_scoped3A = tpu.sem_alloc : memref<!tpu.dma_semaphore, #tpu.memory_space<semaphore_mem>>
        %dma_start3A = arith.constant 0 : i32
        %dma_start3A_32 = tpu.memref_slice %arg13[%dma_start3A] : memref<16384xi32, #tpu.memory_space<vmem>> -> memref<8192xi32, #tpu.memory_space<vmem>>
        %dma_start3A_33 = arith.constant 0 : i32
        %dma_start3A_34 = tpu.memref_slice %arg13[%dma_start3A_33] : memref<16384xi32, #tpu.memory_space<vmem>> -> memref<8192xi32, #tpu.memory_space<vmem>>
        tpu.enqueue_dma source(%dma_start3A_34 : memref<8192xi32, #tpu.memory_space<vmem>>) target(%arg5 : memref<8192xi32, #tpu.memory_space<hbm>>) target_semaphore(%run_scoped3A : memref<!tpu.dma_semaphore, #tpu.memory_space<semaphore_mem>>)
        %dma_wait3A = arith.constant 0 : i32
        %dma_wait3A_35 = tpu.memref_slice %arg13[%dma_wait3A] : memref<16384xi32, #tpu.memory_space<vmem>> -> memref<8192xi32, #tpu.memory_space<vmem>>
        %dma_wait3A_36 = arith.constant 0 : i32
        %dma_wait3A_37 = tpu.memref_slice %arg13[%dma_wait3A_36] : memref<16384xi32, #tpu.memory_space<vmem>> -> memref<8192xi32, #tpu.memory_space<vmem>>
        tpu.wait_dma2 semaphore(%run_scoped3A : memref<!tpu.dma_semaphore, #tpu.memory_space<semaphore_mem>>) src(%dma_wait3A_37 : memref<8192xi32, #tpu.memory_space<vmem>>) dst(%arg5 : memref<8192xi32, #tpu.memory_space<hbm>>)
        tpu.yield
      }) : () -> ()
      "tpu.region"() ({
        %run_scoped3A = tpu.sem_alloc : memref<!tpu.dma_semaphore, #tpu.memory_space<semaphore_mem>>
        tpu.enqueue_dma source(%arg15 : memref<16xi32, #tpu.memory_space<vmem>>) target(%arg8 : memref<16xi32, #tpu.memory_space<hbm>>) target_semaphore(%run_scoped3A : memref<!tpu.dma_semaphore, #tpu.memory_space<semaphore_mem>>)
        tpu.wait_dma2 semaphore(%run_scoped3A : memref<!tpu.dma_semaphore, #tpu.memory_space<semaphore_mem>>) src(%arg15 : memref<16xi32, #tpu.memory_space<vmem>>) dst(%arg8 : memref<16xi32, #tpu.memory_space<hbm>>)
        tpu.yield
      }) : () -> ()
    } else {
    }
    %eq3A_4 = arith.constant 1 : i32
    %eq3A_5 = arith.cmpi eq, %arg1, %eq3A_4 : i32
    %eq3A_6 = arith.constant 0 : i32
    %eq3A_7 = arith.cmpi eq, %arg0, %eq3A_6 : i32
    %and3A_8 = arith.andi %eq3A_5, %eq3A_7 : i1
    %convert_element_type3A_9 = arith.extui %and3A_8 : i1 to i32
    %cond3A_10 = arith.constant 0 : i32
    %cond3A_11 = arith.cmpi ne, %convert_element_type3A_9, %cond3A_10 : i32
    scf.if %cond3A_11 {
      "tpu.region"() ({
        %run_scoped3A = tpu.sem_alloc : memref<!tpu.dma_semaphore, #tpu.memory_space<semaphore_mem>>
        tpu.enqueue_dma source(%arg2 : memref<8192xi32, #tpu.memory_space<hbm>>) target(%arg9 : memref<8192xi32, #tpu.memory_space<vmem>>) target_semaphore(%run_scoped3A : memref<!tpu.dma_semaphore, #tpu.memory_space<semaphore_mem>>)
        tpu.wait_dma2 semaphore(%run_scoped3A : memref<!tpu.dma_semaphore, #tpu.memory_space<semaphore_mem>>) src(%arg2 : memref<8192xi32, #tpu.memory_space<hbm>>) dst(%arg9 : memref<8192xi32, #tpu.memory_space<vmem>>)
        tpu.yield
      }) : () -> ()
      "tpu.region"() ({
        %run_scoped3A = tpu.sem_alloc : memref<!tpu.dma_semaphore, #tpu.memory_space<semaphore_mem>>
        tpu.enqueue_dma source(%arg3 : memref<8192xi32, #tpu.memory_space<hbm>>) target(%arg10 : memref<8192xi32, #tpu.memory_space<vmem>>) target_semaphore(%run_scoped3A : memref<!tpu.dma_semaphore, #tpu.memory_space<semaphore_mem>>)
        tpu.wait_dma2 semaphore(%run_scoped3A : memref<!tpu.dma_semaphore, #tpu.memory_space<semaphore_mem>>) src(%arg3 : memref<8192xi32, #tpu.memory_space<hbm>>) dst(%arg10 : memref<8192xi32, #tpu.memory_space<vmem>>)
        tpu.yield
      }) : () -> ()
      "tpu.region"() ({
        %run_scoped3A = tpu.sem_alloc : memref<!tpu.dma_semaphore, #tpu.memory_space<semaphore_mem>>
        %dma_start3A = arith.constant 8192 : i32
        %dma_start3A_17 = tpu.memref_slice %arg13[%dma_start3A] : memref<16384xi32, #tpu.memory_space<vmem>> -> memref<8192xi32, #tpu.memory_space<vmem>>
        %dma_start3A_18 = arith.constant 8192 : i32
        %dma_start3A_19 = tpu.memref_slice %arg13[%dma_start3A_18] : memref<16384xi32, #tpu.memory_space<vmem>> -> memref<8192xi32, #tpu.memory_space<vmem>>
        tpu.enqueue_dma source(%arg4 : memref<8192xi32, #tpu.memory_space<hbm>>) target(%dma_start3A_19 : memref<8192xi32, #tpu.memory_space<vmem>>) target_semaphore(%run_scoped3A : memref<!tpu.dma_semaphore, #tpu.memory_space<semaphore_mem>>)
        %dma_wait3A = arith.constant 8192 : i32
        %dma_wait3A_20 = tpu.memref_slice %arg13[%dma_wait3A] : memref<16384xi32, #tpu.memory_space<vmem>> -> memref<8192xi32, #tpu.memory_space<vmem>>
        %dma_wait3A_21 = arith.constant 8192 : i32
        %dma_wait3A_22 = tpu.memref_slice %arg13[%dma_wait3A_21] : memref<16384xi32, #tpu.memory_space<vmem>> -> memref<8192xi32, #tpu.memory_space<vmem>>
        tpu.wait_dma2 semaphore(%run_scoped3A : memref<!tpu.dma_semaphore, #tpu.memory_space<semaphore_mem>>) src(%arg4 : memref<8192xi32, #tpu.memory_space<hbm>>) dst(%dma_wait3A_22 : memref<8192xi32, #tpu.memory_space<vmem>>)
        tpu.yield
      }) : () -> ()
      %scan3A = arith.constant 0 : i32
      %scan3A_12 = arith.constant 0 : i32
      %scan3A_13 = arith.constant 256 : i32
      %scan3A_14 = arith.addi %scan3A_12, %scan3A_13 : i32
      %scan3A_15 = arith.constant 1 : i32
      scf.for %scan3A_17 = %scan3A_12 to %scan3A_14 step %scan3A_15  : i32 {
        %mul3A = arith.constant 2 : i32
        %mul3A_18 = arith.muli %mul3A, %scan3A_17 : i32
        %sub3A = arith.constant 511 : i32
        %sub3A_19 = arith.subi %sub3A, %mul3A_18 : i32
        %mul3A_20 = arith.constant 16 : i32
        %mul3A_21 = arith.muli %sub3A_19, %mul3A_20 : i32
        %iota3A = tpu.iota {dimensions = array<i32: 0>} : vector<16xi32>
        %add3A = vector.broadcast %mul3A_21 : i32 to vector<16xi32>
        %add3A_22 = arith.addi %add3A, %iota3A : vector<16xi32>
        %get3A = arith.index_cast %mul3A_21 : i32 to index
        %get3A_23 = tpu.vector_load %arg9[%get3A] {strides = array<i32>} : memref<8192xi32, #tpu.memory_space<vmem>>, vector<16xi32>,
        %get3A_24 = arith.index_cast %mul3A_21 : i32 to index
        %get3A_25 = tpu.vector_load %arg10[%get3A_24] {strides = array<i32>} : memref<8192xi32, #tpu.memory_space<vmem>>, vector<16xi32>,
        %broadcast_in_dim3A = arith.constant 0 : i32
        %broadcast_in_dim3A_26 = vector.broadcast %broadcast_in_dim3A : i32 to vector<16xi32>
        %swap3A = arith.index_cast %mul3A_21 : i32 to index
        %swap3A_27 = tpu.vector_load %arg13[%swap3A] {strides = array<i32>} : memref<16384xi32, #tpu.memory_space<vmem>>, vector<16xi32>,
        tpu.vector_store %arg13[%swap3A], %broadcast_in_dim3A_26 {strides = array<i32>} : memref<16384xi32, #tpu.memory_space<vmem>>, vector<16xi32>,
        %lt3A = arith.constant 0 : i32
        %lt3A_28 = vector.broadcast %lt3A : i32 to vector<16xi32>
        %lt3A_29 = arith.cmpi slt, %get3A_23, %lt3A_28 : vector<16xi32>
        %gt3A = arith.cmpi sgt, %get3A_23, %add3A_22 : vector<16xi32>
        %or3A = arith.ori %lt3A_29, %gt3A : vector<16xi1>
        %lt3A_30 = arith.constant 0 : i32
        %lt3A_31 = vector.broadcast %lt3A_30 : i32 to vector<16xi32>
        %lt3A_32 = arith.cmpi slt, %get3A_25, %lt3A_31 : vector<16xi32>
        %gt3A_33 = arith.cmpi sgt, %get3A_25, %add3A_22 : vector<16xi32>
        %or3A_34 = arith.ori %lt3A_32, %gt3A_33 : vector<16xi1>
        %lt3A_35 = arith.constant 0 : i32
        %lt3A_36 = vector.broadcast %lt3A_35 : i32 to vector<16xi32>
        %lt3A_37 = arith.cmpi slt, %get3A_23, %lt3A_36 : vector<16xi32>
        %sub3A_38 = arith.constant 8191 : i32
        %sub3A_39 = vector.broadcast %sub3A_38 : i32 to vector<16xi32>
        %sub3A_40 = arith.subi %sub3A_39, %get3A_23 : vector<16xi32>
        %select_n3A = arith.select %lt3A_37, %sub3A_40, %get3A_23 : vector<16xi1>, vector<16xi32>
        %jit3A = arith.constant 0 : i32
        %broadcast_in_dim3A_41 = vector.broadcast %jit3A : i32 to vector<16xi32>
        %select_n3A_42 = arith.select %or3A, %select_n3A, %broadcast_in_dim3A_41 : vector<16xi1>, vector<16xi32>
        %lt3A_43 = arith.constant 0 : i32
        %lt3A_44 = vector.broadcast %lt3A_43 : i32 to vector<16xi32>
        %lt3A_45 = arith.cmpi slt, %get3A_25, %lt3A_44 : vector<16xi32>
        %sub3A_46 = arith.constant 8191 : i32
        %sub3A_47 = vector.broadcast %sub3A_46 : i32 to vector<16xi32>
        %sub3A_48 = arith.subi %sub3A_47, %get3A_25 : vector<16xi32>
        %select_n3A_49 = arith.select %lt3A_45, %sub3A_48, %get3A_25 : vector<16xi1>, vector<16xi32>
        %jit3A_50 = arith.constant 0 : i32
        %broadcast_in_dim3A_51 = vector.broadcast %jit3A_50 : i32 to vector<16xi32>
        %select_n3A_52 = arith.select %or3A_34, %select_n3A_49, %broadcast_in_dim3A_51 : vector<16xi1>, vector<16xi32>
        %gather3A = tpu.vector_load_idx %arg13[%select_n3A_42] masked %or3A : memref<16384xi32, #tpu.memory_space<vmem>>[vector<16xi32>], vector<16xi32>, vector<16xi1>
        %gather3A_53 = tpu.vector_load_idx %arg13[%select_n3A_52] masked %or3A_34 : memref<16384xi32, #tpu.memory_space<vmem>>[vector<16xi32>], vector<16xi32>, vector<16xi1>
        %jit3A_54 = arith.constant 0 : i32
        %broadcast_in_dim3A_55 = vector.broadcast %jit3A_54 : i32 to vector<16xi32>
        %select_n3A_56 = arith.select %or3A, %gather3A, %broadcast_in_dim3A_55 : vector<16xi1>, vector<16xi32>
        %jit3A_57 = arith.constant 0 : i32
        %broadcast_in_dim3A_58 = vector.broadcast %jit3A_57 : i32 to vector<16xi32>
        %select_n3A_59 = arith.select %or3A_34, %gather3A_53, %broadcast_in_dim3A_58 : vector<16xi1>, vector<16xi32>
        %lt3A_60 = arith.constant 0 : i32
        %lt3A_61 = vector.broadcast %lt3A_60 : i32 to vector<16xi32>
        %lt3A_62 = arith.cmpi slt, %get3A_23, %lt3A_61 : vector<16xi32>
        %add3A_63 = arith.constant 1 : i32
        %add3A_64 = vector.broadcast %add3A_63 : i32 to vector<16xi32>
        %add3A_65 = arith.addi %select_n3A_56, %add3A_64 : vector<16xi32>
        %select_n3A_66 = arith.select %lt3A_62, %add3A_65, %select_n3A_56 : vector<16xi1>, vector<16xi32>
        %lt3A_67 = arith.constant 0 : i32
        %lt3A_68 = vector.broadcast %lt3A_67 : i32 to vector<16xi32>
        %lt3A_69 = arith.cmpi slt, %get3A_25, %lt3A_68 : vector<16xi32>
        %add3A_70 = arith.constant 1 : i32
        %add3A_71 = vector.broadcast %add3A_70 : i32 to vector<16xi32>
        %add3A_72 = arith.addi %select_n3A_59, %add3A_71 : vector<16xi32>
        %select_n3A_73 = arith.select %lt3A_69, %add3A_72, %select_n3A_59 : vector<16xi1>, vector<16xi32>
        %or3A_74 = arith.ori %select_n3A_66, %select_n3A_73 : vector<16xi32>
        %swap3A_75 = arith.index_cast %mul3A_21 : i32 to index
        %swap3A_76 = tpu.vector_load %arg13[%swap3A_75] {strides = array<i32>} : memref<16384xi32, #tpu.memory_space<vmem>>, vector<16xi32>,
        tpu.vector_store %arg13[%swap3A_75], %or3A_74 {strides = array<i32>} : memref<16384xi32, #tpu.memory_space<vmem>>, vector<16xi32>,
        %gt3A_77 = arith.cmpi sgt, %get3A_23, %add3A_22 : vector<16xi32>
        %add3A_78 = arith.constant 16 : i32
        %add3A_79 = arith.addi %mul3A_21, %add3A_78 : i32
        %lt3A_80 = vector.broadcast %add3A_79 : i32 to vector<16xi32>
        %lt3A_81 = arith.cmpi slt, %get3A_23, %lt3A_80 : vector<16xi32>
        %and3A_82 = arith.andi %gt3A_77, %lt3A_81 : vector<16xi1>
        %gt3A_83 = arith.cmpi sgt, %get3A_25, %add3A_22 : vector<16xi32>
        %add3A_84 = arith.constant 16 : i32
        %add3A_85 = arith.addi %mul3A_21, %add3A_84 : i32
        %lt3A_86 = vector.broadcast %add3A_85 : i32 to vector<16xi32>
        %lt3A_87 = arith.cmpi slt, %get3A_25, %lt3A_86 : vector<16xi32>
        %and3A_88 = arith.andi %gt3A_83, %lt3A_87 : vector<16xi1>
        %or3A_89 = arith.ori %and3A_82, %and3A_88 : vector<16xi1>
        %reduce_or3A = arith.constant 1.000000e+00 : f32
        %reduce_or3A_90 = arith.constant 0.000000e+00 : f32
        %reduce_or3A_91 = vector.broadcast %reduce_or3A : f32 to vector<16xf32>
        %reduce_or3A_92 = vector.broadcast %reduce_or3A_90 : f32 to vector<16xf32>
        %reduce_or3A_93 = arith.select %or3A_89, %reduce_or3A_91, %reduce_or3A_92 : vector<16xi1>, vector<16xf32>
        %reduce_or3A_94 = arith.constant true
        %reduce_or3A_95 = vector.broadcast %reduce_or3A_94 : i1 to vector<16xi1>
        %reduce_or3A_96 = tpu.scan <max>, %reduce_or3A_93 masked %reduce_or3A_95 : vector<16xf32>, vector<16xi1> -> vector<16xf32>
        %reduce_or3A_97 = vector.extract %reduce_or3A_96[15] : f32 from vector<16xf32>
        %reduce_or3A_98 = arith.constant 0.000000e+00 : f32
        %reduce_or3A_99 = arith.cmpf ogt, %reduce_or3A_97, %reduce_or3A_98 : f32
        %convert_element_type3A_100 = arith.extui %reduce_or3A_99 : i1 to i32
        %cond3A_101 = arith.constant 0 : i32
        %cond3A_102 = arith.cmpi ne, %convert_element_type3A_100, %cond3A_101 : i32
        scf.if %cond3A_102 {
          %while3A = arith.constant true
          %while3A_231 = scf.while (%while3A_232 = %while3A) : (i1) -> i1 {
            scf.condition(%while3A_232) %while3A_232 : i1
          } do {
          ^bb0(%while3A_232: i1):
            %get3A_233 = arith.index_cast %mul3A_21 : i32 to index
            %get3A_234 = tpu.vector_load %arg13[%get3A_233] {strides = array<i32>} : memref<16384xi32, #tpu.memory_space<vmem>>, vector<16xi32>,
            %gather3A_235 = tpu.vector_load_idx %arg13[%select_n3A_42] masked %or3A : memref<16384xi32, #tpu.memory_space<vmem>>[vector<16xi32>], vector<16xi32>, vector<16xi1>
            %gather3A_236 = tpu.vector_load_idx %arg13[%select_n3A_52] masked %or3A_34 : memref<16384xi32, #tpu.memory_space<vmem>>[vector<16xi32>], vector<16xi32>, vector<16xi1>
            %jit3A_237 = arith.constant 0 : i32
            %broadcast_in_dim3A_238 = vector.broadcast %jit3A_237 : i32 to vector<16xi32>
            %select_n3A_239 = arith.select %or3A, %gather3A_235, %broadcast_in_dim3A_238 : vector<16xi1>, vector<16xi32>
            %jit3A_240 = arith.constant 0 : i32
            %broadcast_in_dim3A_241 = vector.broadcast %jit3A_240 : i32 to vector<16xi32>
            %select_n3A_242 = arith.select %or3A_34, %gather3A_236, %broadcast_in_dim3A_241 : vector<16xi1>, vector<16xi32>
            %lt3A_243 = arith.constant 0 : i32
            %lt3A_244 = vector.broadcast %lt3A_243 : i32 to vector<16xi32>
            %lt3A_245 = arith.cmpi slt, %get3A_23, %lt3A_244 : vector<16xi32>
            %add3A_246 = arith.constant 1 : i32
            %add3A_247 = vector.broadcast %add3A_246 : i32 to vector<16xi32>
            %add3A_248 = arith.addi %select_n3A_239, %add3A_247 : vector<16xi32>
            %select_n3A_249 = arith.select %lt3A_245, %add3A_248, %select_n3A_239 : vector<16xi1>, vector<16xi32>
            %lt3A_250 = arith.constant 0 : i32
            %lt3A_251 = vector.broadcast %lt3A_250 : i32 to vector<16xi32>
            %lt3A_252 = arith.cmpi slt, %get3A_25, %lt3A_251 : vector<16xi32>
            %add3A_253 = arith.constant 1 : i32
            %add3A_254 = vector.broadcast %add3A_253 : i32 to vector<16xi32>
            %add3A_255 = arith.addi %select_n3A_242, %add3A_254 : vector<16xi32>
            %select_n3A_256 = arith.select %lt3A_252, %add3A_255, %select_n3A_242 : vector<16xi1>, vector<16xi32>
            %or3A_257 = arith.ori %select_n3A_249, %select_n3A_256 : vector<16xi32>
            %swap3A_258 = arith.index_cast %mul3A_21 : i32 to index
            %swap3A_259 = tpu.vector_load %arg13[%swap3A_258] {strides = array<i32>} : memref<16384xi32, #tpu.memory_space<vmem>>, vector<16xi32>,
            tpu.vector_store %arg13[%swap3A_258], %or3A_257 {strides = array<i32>} : memref<16384xi32, #tpu.memory_space<vmem>>, vector<16xi32>,
            %ne3A = arith.cmpi ne, %or3A_257, %get3A_234 : vector<16xi32>
            %reduce_or3A_260 = arith.constant 1.000000e+00 : f32
            %reduce_or3A_261 = arith.constant 0.000000e+00 : f32
            %reduce_or3A_262 = vector.broadcast %reduce_or3A_260 : f32 to vector<16xf32>
            %reduce_or3A_263 = vector.broadcast %reduce_or3A_261 : f32 to vector<16xf32>
            %reduce_or3A_264 = arith.select %ne3A, %reduce_or3A_262, %reduce_or3A_263 : vector<16xi1>, vector<16xf32>
            %reduce_or3A_265 = arith.constant true
            %reduce_or3A_266 = vector.broadcast %reduce_or3A_265 : i1 to vector<16xi1>
            %reduce_or3A_267 = tpu.scan <max>, %reduce_or3A_264 masked %reduce_or3A_266 : vector<16xf32>, vector<16xi1> -> vector<16xf32>
            %reduce_or3A_268 = vector.extract %reduce_or3A_267[15] : f32 from vector<16xf32>
            %reduce_or3A_269 = arith.constant 0.000000e+00 : f32
            %reduce_or3A_270 = arith.cmpf ogt, %reduce_or3A_268, %reduce_or3A_269 : f32
            scf.yield %reduce_or3A_270 : i1
          }
        } else {
        }
        %get3A_103 = arith.index_cast %mul3A_21 : i32 to index
        %get3A_104 = tpu.vector_load %arg13[%get3A_103] {strides = array<i32>} : memref<16384xi32, #tpu.memory_space<vmem>>, vector<16xi32>,
        %and3A_105 = arith.constant 1 : i32
        %and3A_106 = vector.broadcast %and3A_105 : i32 to vector<16xi32>
        %and3A_107 = arith.andi %get3A_104, %and3A_106 : vector<16xi32>
        %swap3A_108 = arith.index_cast %mul3A_21 : i32 to index
        %swap3A_109 = tpu.vector_load %arg11[%swap3A_108] {strides = array<i32>} : memref<8192xi32, #tpu.memory_space<vmem>>, vector<16xi32>,
        tpu.vector_store %arg11[%swap3A_108], %and3A_107 {strides = array<i32>} : memref<8192xi32, #tpu.memory_space<vmem>>, vector<16xi32>,
        %shift_right_arithmetic3A = arith.constant 1 : i32
        %shift_right_arithmetic3A_110 = vector.broadcast %shift_right_arithmetic3A : i32 to vector<16xi32>
        %shift_right_arithmetic3A_111 = arith.shrsi %get3A_104, %shift_right_arithmetic3A_110 : vector<16xi32>
        %and3A_112 = arith.constant 1 : i32
        %and3A_113 = vector.broadcast %and3A_112 : i32 to vector<16xi32>
        %and3A_114 = arith.andi %shift_right_arithmetic3A_111, %and3A_113 : vector<16xi32>
        %swap3A_115 = arith.index_cast %mul3A_21 : i32 to index
        %swap3A_116 = tpu.vector_load %arg12[%swap3A_115] {strides = array<i32>} : memref<8192xi32, #tpu.memory_space<vmem>>, vector<16xi32>,
        tpu.vector_store %arg12[%swap3A_115], %and3A_114 {strides = array<i32>} : memref<8192xi32, #tpu.memory_space<vmem>>, vector<16xi32>,
        %mul3A_117 = arith.constant 2 : i32
        %mul3A_118 = arith.muli %mul3A_117, %scan3A_17 : i32
        %sub3A_119 = arith.constant 510 : i32
        %sub3A_120 = arith.subi %sub3A_119, %mul3A_118 : i32
        %mul3A_121 = arith.constant 16 : i32
        %mul3A_122 = arith.muli %sub3A_120, %mul3A_121 : i32
        %iota3A_123 = tpu.iota {dimensions = array<i32: 0>} : vector<16xi32>
        %add3A_124 = vector.broadcast %mul3A_122 : i32 to vector<16xi32>
        %add3A_125 = arith.addi %add3A_124, %iota3A_123 : vector<16xi32>
        %get3A_126 = arith.index_cast %mul3A_122 : i32 to index
        %get3A_127 = tpu.vector_load %arg9[%get3A_126] {strides = array<i32>} : memref<8192xi32, #tpu.memory_space<vmem>>, vector<16xi32>,
        %get3A_128 = arith.index_cast %mul3A_122 : i32 to index
        %get3A_129 = tpu.vector_load %arg10[%get3A_128] {strides = array<i32>} : memref<8192xi32, #tpu.memory_space<vmem>>, vector<16xi32>,
        %broadcast_in_dim3A_130 = arith.constant 0 : i32
        %broadcast_in_dim3A_131 = vector.broadcast %broadcast_in_dim3A_130 : i32 to vector<16xi32>
        %swap3A_132 = arith.index_cast %mul3A_122 : i32 to index
        %swap3A_133 = tpu.vector_load %arg13[%swap3A_132] {strides = array<i32>} : memref<16384xi32, #tpu.memory_space<vmem>>, vector<16xi32>,
        tpu.vector_store %arg13[%swap3A_132], %broadcast_in_dim3A_131 {strides = array<i32>} : memref<16384xi32, #tpu.memory_space<vmem>>, vector<16xi32>,
        %lt3A_134 = arith.constant 0 : i32
        %lt3A_135 = vector.broadcast %lt3A_134 : i32 to vector<16xi32>
        %lt3A_136 = arith.cmpi slt, %get3A_127, %lt3A_135 : vector<16xi32>
        %gt3A_137 = arith.cmpi sgt, %get3A_127, %add3A_125 : vector<16xi32>
        %or3A_138 = arith.ori %lt3A_136, %gt3A_137 : vector<16xi1>
        %lt3A_139 = arith.constant 0 : i32
        %lt3A_140 = vector.broadcast %lt3A_139 : i32 to vector<16xi32>
        %lt3A_141 = arith.cmpi slt, %get3A_129, %lt3A_140 : vector<16xi32>
        %gt3A_142 = arith.cmpi sgt, %get3A_129, %add3A_125 : vector<16xi32>
        %or3A_143 = arith.ori %lt3A_141, %gt3A_142 : vector<16xi1>
        %lt3A_144 = arith.constant 0 : i32
        %lt3A_145 = vector.broadcast %lt3A_144 : i32 to vector<16xi32>
        %lt3A_146 = arith.cmpi slt, %get3A_127, %lt3A_145 : vector<16xi32>
        %sub3A_147 = arith.constant 8191 : i32
        %sub3A_148 = vector.broadcast %sub3A_147 : i32 to vector<16xi32>
        %sub3A_149 = arith.subi %sub3A_148, %get3A_127 : vector<16xi32>
        %select_n3A_150 = arith.select %lt3A_146, %sub3A_149, %get3A_127 : vector<16xi1>, vector<16xi32>
        %jit3A_151 = arith.constant 0 : i32
        %broadcast_in_dim3A_152 = vector.broadcast %jit3A_151 : i32 to vector<16xi32>
        %select_n3A_153 = arith.select %or3A_138, %select_n3A_150, %broadcast_in_dim3A_152 : vector<16xi1>, vector<16xi32>
        %lt3A_154 = arith.constant 0 : i32
        %lt3A_155 = vector.broadcast %lt3A_154 : i32 to vector<16xi32>
        %lt3A_156 = arith.cmpi slt, %get3A_129, %lt3A_155 : vector<16xi32>
        %sub3A_157 = arith.constant 8191 : i32
        %sub3A_158 = vector.broadcast %sub3A_157 : i32 to vector<16xi32>
        %sub3A_159 = arith.subi %sub3A_158, %get3A_129 : vector<16xi32>
        %select_n3A_160 = arith.select %lt3A_156, %sub3A_159, %get3A_129 : vector<16xi1>, vector<16xi32>
        %jit3A_161 = arith.constant 0 : i32
        %broadcast_in_dim3A_162 = vector.broadcast %jit3A_161 : i32 to vector<16xi32>
        %select_n3A_163 = arith.select %or3A_143, %select_n3A_160, %broadcast_in_dim3A_162 : vector<16xi1>, vector<16xi32>
        %gather3A_164 = tpu.vector_load_idx %arg13[%select_n3A_153] masked %or3A_138 : memref<16384xi32, #tpu.memory_space<vmem>>[vector<16xi32>], vector<16xi32>, vector<16xi1>
        %gather3A_165 = tpu.vector_load_idx %arg13[%select_n3A_163] masked %or3A_143 : memref<16384xi32, #tpu.memory_space<vmem>>[vector<16xi32>], vector<16xi32>, vector<16xi1>
        %jit3A_166 = arith.constant 0 : i32
        %broadcast_in_dim3A_167 = vector.broadcast %jit3A_166 : i32 to vector<16xi32>
        %select_n3A_168 = arith.select %or3A_138, %gather3A_164, %broadcast_in_dim3A_167 : vector<16xi1>, vector<16xi32>
        %jit3A_169 = arith.constant 0 : i32
        %broadcast_in_dim3A_170 = vector.broadcast %jit3A_169 : i32 to vector<16xi32>
        %select_n3A_171 = arith.select %or3A_143, %gather3A_165, %broadcast_in_dim3A_170 : vector<16xi1>, vector<16xi32>
        %lt3A_172 = arith.constant 0 : i32
        %lt3A_173 = vector.broadcast %lt3A_172 : i32 to vector<16xi32>
        %lt3A_174 = arith.cmpi slt, %get3A_127, %lt3A_173 : vector<16xi32>
        %add3A_175 = arith.constant 1 : i32
        %add3A_176 = vector.broadcast %add3A_175 : i32 to vector<16xi32>
        %add3A_177 = arith.addi %select_n3A_168, %add3A_176 : vector<16xi32>
        %select_n3A_178 = arith.select %lt3A_174, %add3A_177, %select_n3A_168 : vector<16xi1>, vector<16xi32>
        %lt3A_179 = arith.constant 0 : i32
        %lt3A_180 = vector.broadcast %lt3A_179 : i32 to vector<16xi32>
        %lt3A_181 = arith.cmpi slt, %get3A_129, %lt3A_180 : vector<16xi32>
        %add3A_182 = arith.constant 1 : i32
        %add3A_183 = vector.broadcast %add3A_182 : i32 to vector<16xi32>
        %add3A_184 = arith.addi %select_n3A_171, %add3A_183 : vector<16xi32>
        %select_n3A_185 = arith.select %lt3A_181, %add3A_184, %select_n3A_171 : vector<16xi1>, vector<16xi32>
        %or3A_186 = arith.ori %select_n3A_178, %select_n3A_185 : vector<16xi32>
        %swap3A_187 = arith.index_cast %mul3A_122 : i32 to index
        %swap3A_188 = tpu.vector_load %arg13[%swap3A_187] {strides = array<i32>} : memref<16384xi32, #tpu.memory_space<vmem>>, vector<16xi32>,
        tpu.vector_store %arg13[%swap3A_187], %or3A_186 {strides = array<i32>} : memref<16384xi32, #tpu.memory_space<vmem>>, vector<16xi32>,
        %gt3A_189 = arith.cmpi sgt, %get3A_127, %add3A_125 : vector<16xi32>
        %add3A_190 = arith.constant 16 : i32
        %add3A_191 = arith.addi %mul3A_122, %add3A_190 : i32
        %lt3A_192 = vector.broadcast %add3A_191 : i32 to vector<16xi32>
        %lt3A_193 = arith.cmpi slt, %get3A_127, %lt3A_192 : vector<16xi32>
        %and3A_194 = arith.andi %gt3A_189, %lt3A_193 : vector<16xi1>
        %gt3A_195 = arith.cmpi sgt, %get3A_129, %add3A_125 : vector<16xi32>
        %add3A_196 = arith.constant 16 : i32
        %add3A_197 = arith.addi %mul3A_122, %add3A_196 : i32
        %lt3A_198 = vector.broadcast %add3A_197 : i32 to vector<16xi32>
        %lt3A_199 = arith.cmpi slt, %get3A_129, %lt3A_198 : vector<16xi32>
        %and3A_200 = arith.andi %gt3A_195, %lt3A_199 : vector<16xi1>
        %or3A_201 = arith.ori %and3A_194, %and3A_200 : vector<16xi1>
        %reduce_or3A_202 = arith.constant 1.000000e+00 : f32
        %reduce_or3A_203 = arith.constant 0.000000e+00 : f32
        %reduce_or3A_204 = vector.broadcast %reduce_or3A_202 : f32 to vector<16xf32>
        %reduce_or3A_205 = vector.broadcast %reduce_or3A_203 : f32 to vector<16xf32>
        %reduce_or3A_206 = arith.select %or3A_201, %reduce_or3A_204, %reduce_or3A_205 : vector<16xi1>, vector<16xf32>
        %reduce_or3A_207 = arith.constant true
        %reduce_or3A_208 = vector.broadcast %reduce_or3A_207 : i1 to vector<16xi1>
        %reduce_or3A_209 = tpu.scan <max>, %reduce_or3A_206 masked %reduce_or3A_208 : vector<16xf32>, vector<16xi1> -> vector<16xf32>
        %reduce_or3A_210 = vector.extract %reduce_or3A_209[15] : f32 from vector<16xf32>
        %reduce_or3A_211 = arith.constant 0.000000e+00 : f32
        %reduce_or3A_212 = arith.cmpf ogt, %reduce_or3A_210, %reduce_or3A_211 : f32
        %convert_element_type3A_213 = arith.extui %reduce_or3A_212 : i1 to i32
        %cond3A_214 = arith.constant 0 : i32
        %cond3A_215 = arith.cmpi ne, %convert_element_type3A_213, %cond3A_214 : i32
        scf.if %cond3A_215 {
          %while3A = arith.constant true
          %while3A_231 = scf.while (%while3A_232 = %while3A) : (i1) -> i1 {
            scf.condition(%while3A_232) %while3A_232 : i1
          } do {
          ^bb0(%while3A_232: i1):
            %get3A_233 = arith.index_cast %mul3A_122 : i32 to index
            %get3A_234 = tpu.vector_load %arg13[%get3A_233] {strides = array<i32>} : memref<16384xi32, #tpu.memory_space<vmem>>, vector<16xi32>,
            %gather3A_235 = tpu.vector_load_idx %arg13[%select_n3A_153] masked %or3A_138 : memref<16384xi32, #tpu.memory_space<vmem>>[vector<16xi32>], vector<16xi32>, vector<16xi1>
            %gather3A_236 = tpu.vector_load_idx %arg13[%select_n3A_163] masked %or3A_143 : memref<16384xi32, #tpu.memory_space<vmem>>[vector<16xi32>], vector<16xi32>, vector<16xi1>
            %jit3A_237 = arith.constant 0 : i32
            %broadcast_in_dim3A_238 = vector.broadcast %jit3A_237 : i32 to vector<16xi32>
            %select_n3A_239 = arith.select %or3A_138, %gather3A_235, %broadcast_in_dim3A_238 : vector<16xi1>, vector<16xi32>
            %jit3A_240 = arith.constant 0 : i32
            %broadcast_in_dim3A_241 = vector.broadcast %jit3A_240 : i32 to vector<16xi32>
            %select_n3A_242 = arith.select %or3A_143, %gather3A_236, %broadcast_in_dim3A_241 : vector<16xi1>, vector<16xi32>
            %lt3A_243 = arith.constant 0 : i32
            %lt3A_244 = vector.broadcast %lt3A_243 : i32 to vector<16xi32>
            %lt3A_245 = arith.cmpi slt, %get3A_127, %lt3A_244 : vector<16xi32>
            %add3A_246 = arith.constant 1 : i32
            %add3A_247 = vector.broadcast %add3A_246 : i32 to vector<16xi32>
            %add3A_248 = arith.addi %select_n3A_239, %add3A_247 : vector<16xi32>
            %select_n3A_249 = arith.select %lt3A_245, %add3A_248, %select_n3A_239 : vector<16xi1>, vector<16xi32>
            %lt3A_250 = arith.constant 0 : i32
            %lt3A_251 = vector.broadcast %lt3A_250 : i32 to vector<16xi32>
            %lt3A_252 = arith.cmpi slt, %get3A_129, %lt3A_251 : vector<16xi32>
            %add3A_253 = arith.constant 1 : i32
            %add3A_254 = vector.broadcast %add3A_253 : i32 to vector<16xi32>
            %add3A_255 = arith.addi %select_n3A_242, %add3A_254 : vector<16xi32>
            %select_n3A_256 = arith.select %lt3A_252, %add3A_255, %select_n3A_242 : vector<16xi1>, vector<16xi32>
            %or3A_257 = arith.ori %select_n3A_249, %select_n3A_256 : vector<16xi32>
            %swap3A_258 = arith.index_cast %mul3A_122 : i32 to index
            %swap3A_259 = tpu.vector_load %arg13[%swap3A_258] {strides = array<i32>} : memref<16384xi32, #tpu.memory_space<vmem>>, vector<16xi32>,
            tpu.vector_store %arg13[%swap3A_258], %or3A_257 {strides = array<i32>} : memref<16384xi32, #tpu.memory_space<vmem>>, vector<16xi32>,
            %ne3A = arith.cmpi ne, %or3A_257, %get3A_234 : vector<16xi32>
            %reduce_or3A_260 = arith.constant 1.000000e+00 : f32
            %reduce_or3A_261 = arith.constant 0.000000e+00 : f32
            %reduce_or3A_262 = vector.broadcast %reduce_or3A_260 : f32 to vector<16xf32>
            %reduce_or3A_263 = vector.broadcast %reduce_or3A_261 : f32 to vector<16xf32>
            %reduce_or3A_264 = arith.select %ne3A, %reduce_or3A_262, %reduce_or3A_263 : vector<16xi1>, vector<16xf32>
            %reduce_or3A_265 = arith.constant true
            %reduce_or3A_266 = vector.broadcast %reduce_or3A_265 : i1 to vector<16xi1>
            %reduce_or3A_267 = tpu.scan <max>, %reduce_or3A_264 masked %reduce_or3A_266 : vector<16xf32>, vector<16xi1> -> vector<16xf32>
            %reduce_or3A_268 = vector.extract %reduce_or3A_267[15] : f32 from vector<16xf32>
            %reduce_or3A_269 = arith.constant 0.000000e+00 : f32
            %reduce_or3A_270 = arith.cmpf ogt, %reduce_or3A_268, %reduce_or3A_269 : f32
            scf.yield %reduce_or3A_270 : i1
          }
        } else {
        }
        %get3A_216 = arith.index_cast %mul3A_122 : i32 to index
        %get3A_217 = tpu.vector_load %arg13[%get3A_216] {strides = array<i32>} : memref<16384xi32, #tpu.memory_space<vmem>>, vector<16xi32>,
        %and3A_218 = arith.constant 1 : i32
        %and3A_219 = vector.broadcast %and3A_218 : i32 to vector<16xi32>
        %and3A_220 = arith.andi %get3A_217, %and3A_219 : vector<16xi32>
        %swap3A_221 = arith.index_cast %mul3A_122 : i32 to index
        %swap3A_222 = tpu.vector_load %arg11[%swap3A_221] {strides = array<i32>} : memref<8192xi32, #tpu.memory_space<vmem>>, vector<16xi32>,
        tpu.vector_store %arg11[%swap3A_221], %and3A_220 {strides = array<i32>} : memref<8192xi32, #tpu.memory_space<vmem>>, vector<16xi32>,
        %shift_right_arithmetic3A_223 = arith.constant 1 : i32
        %shift_right_arithmetic3A_224 = vector.broadcast %shift_right_arithmetic3A_223 : i32 to vector<16xi32>
        %shift_right_arithmetic3A_225 = arith.shrsi %get3A_217, %shift_right_arithmetic3A_224 : vector<16xi32>
        %and3A_226 = arith.constant 1 : i32
        %and3A_227 = vector.broadcast %and3A_226 : i32 to vector<16xi32>
        %and3A_228 = arith.andi %shift_right_arithmetic3A_225, %and3A_227 : vector<16xi32>
        %swap3A_229 = arith.index_cast %mul3A_122 : i32 to index
        %swap3A_230 = tpu.vector_load %arg12[%swap3A_229] {strides = array<i32>} : memref<8192xi32, #tpu.memory_space<vmem>>, vector<16xi32>,
        tpu.vector_store %arg12[%swap3A_229], %and3A_228 {strides = array<i32>} : memref<8192xi32, #tpu.memory_space<vmem>>, vector<16xi32>,
      }
      %scan3A_16 = arith.constant 256 : i32
      "tpu.region"() ({
        %run_scoped3A = tpu.sem_alloc : memref<!tpu.dma_semaphore, #tpu.memory_space<semaphore_mem>>
        tpu.enqueue_dma source(%arg11 : memref<8192xi32, #tpu.memory_space<vmem>>) target(%arg6 : memref<8192xi32, #tpu.memory_space<hbm>>) target_semaphore(%run_scoped3A : memref<!tpu.dma_semaphore, #tpu.memory_space<semaphore_mem>>)
        tpu.wait_dma2 semaphore(%run_scoped3A : memref<!tpu.dma_semaphore, #tpu.memory_space<semaphore_mem>>) src(%arg11 : memref<8192xi32, #tpu.memory_space<vmem>>) dst(%arg6 : memref<8192xi32, #tpu.memory_space<hbm>>)
        tpu.yield
      }) : () -> ()
      "tpu.region"() ({
        %run_scoped3A = tpu.sem_alloc : memref<!tpu.dma_semaphore, #tpu.memory_space<semaphore_mem>>
        tpu.enqueue_dma source(%arg12 : memref<8192xi32, #tpu.memory_space<vmem>>) target(%arg7 : memref<8192xi32, #tpu.memory_space<hbm>>) target_semaphore(%run_scoped3A : memref<!tpu.dma_semaphore, #tpu.memory_space<semaphore_mem>>)
        tpu.wait_dma2 semaphore(%run_scoped3A : memref<!tpu.dma_semaphore, #tpu.memory_space<semaphore_mem>>) src(%arg12 : memref<8192xi32, #tpu.memory_space<vmem>>) dst(%arg7 : memref<8192xi32, #tpu.memory_space<hbm>>)
        tpu.yield
      }) : () -> ()
    } else {
    }
    return
  }
}

</mosaic_0001>

<sc_bundles>
// kernel: _dag_flags.3.cloned.1.call-start
scs
__scs_entry_jumppad:
0x0: {  	(pc) =	sbr.rel $0x88, $3  }
0x1: {  	(tag) =	ssettag $0x0;
	lr =	simm.s32 $0x1  }
0x2: {  	[smem:$0x3F9E] =	sst lr;
	_ =	strace $0xD0000000  }
0x3: {  	_ = 	snop  }
0x4: {  	_ = 	snop  }
0x5: {  	_ = 	snop  }
0x6: {  	_ = 	snop  }
0x7: {  	_ = 	snop  }
__scs_overlays_trampoline_lowered:
0x8: {  	[smem:$0x3FAD] =	sst s0  }
0x9: {  	[smem:$0x3FAE] =	sst s1  }
0xa: {  	[smem:$0x3FAF] =	sst s2  }
0xb: {  	[smem:$0x3FB0] =	sst s3  }
0xc: {  	[smem:$0x3FB1] =	sst s4  }
0xd: {  	[smem:$0x3FB2] =	sst s5  }
0xe: {  	[smem:$0x3FB3] =	sst s6  }
0xf: {  	[smem:$0x3FB4] =	sst s7  }
0x10: {  	[smem:$0x3FB5] =	sst s8  }
0x11: {  	[smem:$0x3FB6] =	sst s9;
	s0 =	simm.s32 @!p0 $0x0  }
0x12: {  	s1 =	sld [smem:$0x3F9C];
	s0 =	simm.s32 @p0 $0x1  }
0x13: {  	[smem:$0x3FB7] =	sst s0;
	s0 =	simm.s32 @!p1 $0x0  }
0x14: {  	s2 =	sld [smem:$0x3F9B];
	s0 =	simm.s32 @p1 $0x1  }
0x15: {  	[smem:$0x3FB8] =	sst s0;
	s0 =	simm.s32 @!p2 $0x0  }
0x16: {  	s3 =	sld [smem:$0x3FDB];
	s0 =	simm.s32 @p2 $0x1  }
0x17: {  	s4 =	simm.s32 $0x1BF5;
	[smem:$0x3FBA] =	sst s0  }
0x18: {  	s0 =	sld [smem:$0x3F9D];
	_ =	swait.ge [sflag:s4], $0x0  }
0x19: {  	s7 =	sld [smem:$0x3F9E]  }
0x1a: {  	s8 =	sadd.s32 $0xFFFFE003, lr  }
0x1b: {  	s9 =	sadd.s32 $0xFFFFFEF7, lr;
	s5 =	simm.s32 $0xFFFFFFFF;
	p2 =	slt.u32 s8, $0xFFFFF086  }
0x1c: {  	p1 =	slt.u32 s9, $0xF7A;
	s5 =	simm.s32 @!p2 $0x0  }
0x1d: {  	s5 =	simm.s32 @p1 $0x1;
	p0 =	seq.s32 s7, s2  }
0x1e: {  	s7 =	smul.u32 @!p0 $0xF7A, s2;
	p2 =	seq.s32 @!p0 s5, $0x0  }
0x1f: {  	s9 =	smul.u32 $0xF7A, s1;
	s8 =	simm.s32 @!p0 $0x1BF5;
	p2 =	por !p2, p0  }
0x20: {  	[sflag:s8] =	ssyncset.s32 @!p0 $0xFFFFF086;
	s6 =	sadd.s32 @!p0 s3, s7;
	s7 =	simm.s32 @!p0 $0x108  }
0x21: {  	s3 =	sadd.s32 s3, s9;
	s6 =	sadd.s32 @!p0 $0x88, s6;
	s7 =	simm.s32 @p2 $0x1082  }
0x22: {  	[simem:s7], [sflag:s8] =	dma.local @!p0 [hbm:s6], $0xF7A  }
0x23: {  	s9 =	sor.u32 $0xD0000000, s2;
	s6 =	simm.s32 $0x108;
	_ =	swait.ge @!p0 [sflag:s8], $0x0  }
0x24: {  	s3 =	sadd.s32 $0x88, s3;
	s6 =	simm.s32 @!p1 $0x1082;
	[sflag:s4] =	ssyncset.s32 $0xFFFFF086  }
0x25: {  	[simem:s6], [sflag:s4] =	dma.local [hbm:s3], $0xF7A  }
0x26: {  	[smem:$0x3F9E] =	sst s1;
	(tag) =	ssettag s2;
	_ =	strace s9  }
0x27: {  	s1 =	sld [smem:$0x3FAE]  }
0x28: {  	s2 =	sld [smem:$0x3FAF]  }
0x29: {  	s4 =	sld [smem:$0x3FB1]  }
0x2a: {  	p0 =	seq.s32 s5, $0x0;
	s5 =	sld [smem:$0x3FB2]  }
0x2b: {  	s6 =	sld [smem:$0x3FB3]  }
0x2c: {  	s7 =	sld [smem:$0x3FB4]  }
0x2d: {  	s3 =	simm.s32 $0x108;
	s8 =	sld [smem:$0x3FB5]  }
0x2e: {  	s3 =	simm.s32 @!p0 $0x1082;
	s9 =	sld [smem:$0x3FB6]  }
0x2f: {  	lr =	sadd.s32 s0, s3;
	s0 =	sld [smem:$0x3FAD]  }
0x30: {  	s3 =	sld [smem:$0x3FB0]  }
0x31: {  	[smem:$0x3FB9] =	sst s10  }
0x32: {  	s10 =	sld [smem:$0x3FB7];
	_ =	sdelay $0x3  }
0x33: {  	p0 =	seq.s32 s10, $0x1;
	s10 =	sld [smem:$0x3FB9];
	_ =	sdelay $0x3  }
0x34: {  	[smem:$0x3FB9] =	sst s10  }
0x35: {  	s10 =	sld [smem:$0x3FB8];
	_ =	sdelay $0x3  }
0x36: {  	p1 =	seq.s32 s10, $0x1;
	s10 =	sld [smem:$0x3FB9];
	_ =	sdelay $0x3  }
0x37: {  	[smem:$0x3FB9] =	sst s10  }
0x38: {  	s10 =	sld [smem:$0x3FBA]  }
0x39: {  	_ = 	snop;
	(pc) =	sbr.ind lr, $3  }
0x3a: {  	_ = 	snop  }
0x3b: {  	_ = 	snop  }
0x3c: {  	p2 =	seq.s32 s10, $0x1;
	s10 =	sld [smem:$0x3FB9]  }
0x3d: {  	_ =	shalt  }
0x3e: {  	_ =	shalt  }
0x3f: {  	_ =	shalt  }
0x40: {  	_ =	shalt  }
0x41: {  	_ =	shalt  }
0x42: {  	_ =	shalt  }
0x43: {  	_ =	shalt  }
0x44: {  	_ =	shalt  }
0x45: {  	_ =	shalt  }
0x46: {  	_ =	shalt  }
0x47: {  	_ =	shalt  }
0x48: {  	_ =	shalt  }
0x49: {  	_ =	shalt  }
0x4a: {  	_ =	shalt  }
0x4b: {  	_ =	shalt  }
0x4c: {  	_ =	shalt  }
0x4d: {  	_ =	shalt  }
0x4e: {  	_ =	shalt  }
0x4f: {  	_ =	shalt  }
0x50: {  	_ =	shalt  }
0x51: {  	_ =	shalt  }
0x52: {  	_ =	shalt  }
0x53: {  	_ =	shalt  }
0x54: {  	_ =	shalt  }
0x55: {  	_ =	shalt  }
0x56: {  	_ =	shalt  }
0x57: {  	_ =	shalt  }
0x58: {  	_ =	shalt  }
0x59: {  	_ =	shalt  }
0x5a: {  	_ =	shalt  }
0x5b: {  	_ =	shalt  }
0x5c: {  	_ =	shalt  }
0x5d: {  	_ =	shalt  }
0x5e: {  	_ =	shalt  }
0x5f: {  	_ =	shalt  }
0x60: {  	_ =	shalt  }
0x61: {  	_ =	shalt  }
0x62: {  	_ =	shalt  }
0x63: {  	_ =	shalt  }
0x64: {  	_ =	shalt  }
0x65: {  	_ =	shalt  }
0x66: {  	_ =	shalt  }
0x67: {  	_ =	shalt  }
0x68: {  	_ =	shalt  }
0x69: {  	_ =	shalt  }
0x6a: {  	_ =	shalt  }
0x6b: {  	_ =	shalt  }
0x6c: {  	_ =	shalt  }
0x6d: {  	_ =	shalt  }
0x6e: {  	_ =	shalt  }
0x6f: {  	_ =	shalt  }
0x70: {  	_ =	shalt  }
0x71: {  	_ =	shalt  }
0x72: {  	_ =	shalt  }
0x73: {  	_ =	shalt  }
0x74: {  	_ =	shalt  }
0x75: {  	_ =	shalt  }
0x76: {  	_ =	shalt  }
0x77: {  	_ =	shalt  }
0x78: {  	_ =	shalt  }
0x79: {  	_ =	shalt  }
0x7a: {  	_ =	shalt  }
0x7b: {  	_ =	shalt  }
0x7c: {  	_ =	shalt  }
0x7d: {  	_ =	shalt  }
0x7e: {  	_ =	shalt  }
0x7f: {  	_ =	shalt  }
0x80: {  	_ =	shalt  }
0x81: {  	_ =	shalt  }
0x82: {  	_ =	shalt  }
0x83: {  	_ =	shalt  }
0x84: {  	_ =	shalt  }
0x85: {  	_ =	shalt  }
0x86: {  	_ =	shalt  }
0x87: {  	_ =	shalt  }
.Lfunc_end0:
.L_simem_size_0:
called_computation_lowered:
.L_overlay_start_0:
0x88: {  	s0 =	sld [smem:$0x3FD9]  }
0x89: {  	s1 =	sld [smem:$0x3FFE];
	_ =	sdelay $0x3  }
0x8a: {  	s0 =	sadd.s32 s1, s0  }
0x8b: {  	[smem:$0x3FC5] =	sst s0  }
0x8c: {  	_ = 	snop  }
0x8d: {  	s0 =	sld [smem:$0x3FD0]  }
0x8e: {  	s14 =	sld [smem:$0x3FC9]  }
0x8f: {  	s2 =	sld [smem:$0x3FC8]  }
0x90: {  	s4 =	simm.s32 $0xA;
	s5 =	simm.s32 $0x10;
	s3 =	sld [smem:$0x3FC7]  }
0x91: {  	[smem:s5], [sflag:s4] =	dma.local [hbm:s0], $0x1  }
0x92: {  	_ =	swait.eq [sflag:s4], $0x1  }
0x93: {  	s15 =	sld [smem:$0x10]  }
0x94: {  	s16 =	sld [smem:$0x11];
	[sflag:s4] =	ssyncset.done $0x0  }
0x95: {  	s6 =	sld [smem:$0x12];
	[sflag:s4] =	ssyncadd.s32 $0xFFFFFFFF  }
0x96: {  	s17 =	sld [smem:$0x13];
	(tm) =	ssettm $0x1  }
0x97: {  	s7 =	sld [smem:$0x3FFB];
	_ =	sdelay $0x3  }
0x98: {  	_ =	strace s7  }
0x99: {  	s7 =	sld [smem:$0x3FFC];
	_ =	sdelay $0x3  }
0x9a: {  	_ =	strace s7  }
0x9b: {  	s7 =	sld [smem:$0x3FFD];
	_ =	sdelay $0x3  }
0x9c: {  	_ =	strace s7  }
0x9d: {  	_ =	strace $0x8FFFFFFF  }
0x9e: {  	s18 =	sld [smem:$0x3FDB];
	_ =	sdelay $0x1  }
0x9f: {  	s8 =	simm.s32 $_scs_section_size  }
0xa0: {  	s9 =	simm.s32 $_size__tile_overlayer_lowered;
	s10 =	simm.s32 $_tile_overlayer_lowered  }
0xa1: {  	s21 =	simm.s32 $0x1BFF;
	s20 =	sshll.u32 s10, $0x1;
	s7 =	sadd.s32 s8, s18  }
0xa2: {  	s11 =	simm.s32 $0x0;
	s19 =	sshll.u32 s9, $0x1;
	s9 =	sadd.s32 s20, s7  }
0xa3: {  	[timem:s11], [sflag:s21] =	dma.local [hbm:s9], s19  }
0xa4: {  	_ =	swait.ge [sflag:s21], s19  }
0xa5: {  	s8 =	ssub.s32 $0x0, s19;
	[sflag:s21] =	ssyncset.done $0x0  }
0xa6: {  	[sflag:s21] =	ssyncadd.s32 s8;
	_ =	sdelay $0x1  }
0xa7: {  	s22 =	simm.s32 $0x1B8B  }
0xa8: {  	_ =	swait.ge [sflag:s22], $0x1  }
0xa9: {  	[sflag:s22] =	ssyncset.done $0x0  }
0xaa: {  	s23 =	simm.s32 $0x1B8E;
	[sflag:s22] =	ssyncadd.s32 $0xFFFFFFFF  }
0xab: {  	s24 =	simm.s32 $execute0_lowered;
	[smem:$0x3FD2] =	sst s23  }
0xac: {  	s8 =	sshll.u32 s24, $0x1;
	_ =	strace $0x80000046;
	[dreg:$0x1] =	wrdreg $0xFFFFFFFF  }
0xad: {  	s25 =	simm.s32 $_size_execute0_lowered;
	s7 =	sadd.s32 s7, s8;
	[dreg:$0x0] =	wrdreg $0x0  }
0xae: {  	s8 =	sshll.u32 s25, $0x1;
	[dreg:$0x2] =	wrdreg s7  }
0xaf: {  	[dreg:$0x3] =	wrdreg s8  }
0xb0: {  	[dreg:$0x4] =	wrdreg $0xC0  }
0xb1: {  	_ =	task [dreg:s11], $0x5FFFF  }
0xb2: {  	[dreg:$0x1] =	wrdreg $0xFFFFFFFF  }
0xb3: {  	[dreg:$0x0] =	wrdreg $0x60  }
0xb4: {  	[dreg:$0x2] =	wrdreg s14  }
0xb5: {  	[dreg:$0x3] =	wrdreg s2  }
0xb6: {  	[dreg:$0x4] =	wrdreg s3  }
0xb7: {  	[dreg:$0x5] =	wrdreg s15  }
0xb8: {  	[dreg:$0x6] =	wrdreg s16  }
0xb9: {  	[dreg:$0x7] =	wrdreg s6  }
0xba: {  	[dreg:$0x8] =	wrdreg s17  }
0xbb: {  	[dreg:$0x9] =	wrdreg $0x9  }
0xbc: {  	_ =	task.clear_ibuf [dreg:s11], $0xAFFFF;
	_ =	strace $0x90000046  }
0xbd: {  	s26 =	simm.s32 $0x9;
	_ =	strace $0x80000048  }
0xbe: {  	_ =	swait.ge [sflag:s26], $0x1  }
0xbf: {  	[sflag:s26] =	ssyncadd.s32 $0xFFFFFFFF  }
0xc0: {  	_ =	strace $0x90000048  }
0xc1: {  	_ =	sfence  }
0xc2: {  	s28 =	sld [smem:$0x0];
	_ =	sdelay $0x1  }
0xc3: {  	s29 =	srdreg.scid  }
0xc4: {  	s30 =	sshll.u32 s29, $0xD;
	s31 =	sshrl.u32 s29, $0x2  }
0xc5: {  	s1 =	sand.u32 $0x1, s29;
	s2 =	sand.u32 $0x4000, s30;
	s0 =	sadd.s32 s31, s28  }
0xc6: {  	s1 =	sor.u32 s2, s1;
	s0 =	sshll.u32 s0, $0x11  }
0xc7: {  	s0 =	sor.u32 s0, s1  }
0xc8: {  	s0 =	sadd.s32 $0x8F2B, s0  }
0xc9: {  	[sflag:s0] =	ssyncadd.remote.s32 $0x1  }
0xca: {  	_ =	sfence.sel $0xFFFF  }
0xcb: {  	[dreg:$0x0] =	wrdreg $0xFFFFFFFF;
	(pc) =	sbr.abs _section_cstart, $3  }
0xcc: {  	[dreg:$0x1] =	wrdreg $0xFFFFFFFF  }
0xcd: {  	_ =	task.clear_ibuf [dreg:s11], $0x2FFFF;
	_ =	strace $0x9FFFFFFF  }
0xce: {  	(tm) =	ssettm $0x7FFFFFFF  }
0xcf: {  	_ =	shalt  }
tec
execute0_lowered:
.L_overlay_start_1:
0x0: {  	(tag) =	ssettag $0x1  }
0x1: {  	s8 =	rddreg [dreg:$0x0]  }
0x2: {  	s6 =	rddreg [dreg:$0x1];
	s1 =	stileid.u32  }
0x3: {  	s7 =	rddreg [dreg:$0x2];
	p0 =	seq.s32 s1, $0x1  }
.Ltmp0:
0x4: {  	s3 =	rddreg [dreg:$0x3];
	(pc) =	sbr.rel @p0 .LBB2_12-.Ltmp0, $4  }
0x5: {  	s5 =	rddreg [dreg:$0x4]  }
0x6: {  	s4 =	rddreg [dreg:$0x5]  }
0x7: {  	s2 =	rddreg [dreg:$0x6]  }
0x8: {  	s0 =	rddreg [dreg:$0x7];
	_ =	strace $0x80000047  }
0x9: {  	p0 =	sne.s32 s1, $0x0  }
.Ltmp1:
0xa: {  	_ = 	snop;
	(pc) =	sbr.rel @p0 .LBB2_19-.Ltmp1, $1  }
0xb: {  	_ =	sdelay $0x3  }
0xc: {  	s4 =	simm.s32 $0x0;
	s5 =	simm.s32 $0x1  }
0xd: {  	[tilespmem:s4], [sflag:$0x1] =	stream.linear.gather [hbm4b:s8+s4], $0x2000, $0x38;
	[tilespmem:$0xE080] =	vst v63  }
0xe: {  	_ =	swait.ge [sflag:s5], $0x2000  }
0xf: {  	[sflag:s5] =	ssyncset.done $0x0  }
0x10: {  	s7 =	simm.s32 $0x2000;
	[sflag:s5] =	ssyncadd.s32 $0xFFFFE000  }
0x11: {  	[tilespmem:s7], [sflag:$0x1] =	stream.linear.gather [hbm4b:s6+s4], $0x2000, $0x38;
	[tilespmem:$0xE080] =	vst v63  }
0x12: {  	_ =	swait.ge [sflag:s5], $0x2000  }
0x13: {  	[sflag:s5] =	ssyncset.done $0x0  }
0x14: {  	v1 =	vimm.s32 $0x0;
	s4 =	simm.s32 $0x40;
	[sflag:s5] =	ssyncadd.s32 $0xFFFFE000;
	s5 =	simm.s32 $0x0  }
.LBB2_3:
0x15: {  	p0 =	sne.s32 s4, $0x7FC0;
	[tilespmem:s5+$0x8000] =	vst v1;
	s5 =	smov.u32 s4;
	s4 =	sadd.s32 $0x40, s4  }
.Ltmp2:
0x16: {  	(pc) =	sbr.rel @p0 .LBB2_3-.Ltmp2, $2  }
0x17: {  	_ =	sdelay $0x2  }
0x18: {  	s5 =	sshra.s32 s5, $0x2  }
.Ltmp3:
0x19: {  	(pc) =	sbr.rel .LBB2_5-.Ltmp3, $4  }
0x1a: {  	_ = 	snop  }
0x1b: {  	vm0 =	vcmask $0x300;
	v0 =	vimm.s32 $0x0;
	[tilespmem:s5+$0x8000] =	vst v1;
	s10 =	simm.s32 $0x1  }
0x1c: {  	s4 =	simm.s32 $0x0;
	s5 =	simm.s32 $0x2000;
	s6 =	simm.s32 $0x8000;
	v1 =	vsel vm0, $0x1, v0;
	[tilespmem:$0x4000] =	vst v0  }
0x1d: {  	s7 =	simm.s32 $0xC000;
	v2 =	vimm.s32 $0x1;
	s9 =	simm.s32 $0x6000;
	s8 =	simm.s32 $0x1;
	[tilespmem:$0x8000] =	vst v1;
	v1 =	vlaneseq.u32  }
.LBB2_10:
0x1e: {  	p0 =	sgt.s32 s10, $0x0  }
.Ltmp4:
0x1f: {  	_ = 	snop;
	(pc) =	sbr.rel @!p0 .LBB2_11-.Ltmp4, $2  }
0x20: {  	_ =	sdelay $0x2  }
0x21: {  	s8 =	sadd.s32 s8, s10  }
.LBB2_5:
0x22: {  	s11 =	sadd.s32 $0xF, s10  }
0x23: {  	s12 =	sand.u32 $0xF, s11  }
0x24: {  	s13 =	sshra.s32 s11, $0x1F;
	p0 =	slt.s32 s11, $0x0;
	p1 =	sne.s32 s12, $0x0  }
0x25: {  	s31 =	sshrl.u32 s13, $0x1C;
	p0 =	por !p0, !p1  }
0x26: {  	s12 =	simm.s32 $0x1;
	s11 =	sadd.s32 s31, s11;
	p0 =	por !p0, !p0  }
0x27: {  	s11 =	sshra.s32 s11, $0x4;
	s12 =	simm.s32 @!p0 $0x0  }
0x28: {  	s11 =	ssub.s32 s11, s12  }
0x29: {  	p0 =	slt.s32 s11, $0x1  }
.Ltmp5:
0x2a: {  	_ = 	snop;
	(pc) =	sbr.rel @p0 .LBB2_7-.Ltmp5, $2  }
0x2b: {  	_ =	sdelay $0x2  }
0x2c: {  	s13 =	simm.s32 $0x4000;
	s12 =	smov.u32 s10;
	s10 =	simm.s32 $0x0  }
.LBB2_6:
0x2d: {  	v3 =	vld [tilespmem:s13+$0x0];
	_ =	sdelay $0x2  }
0x2e: {  	v4 =	vmov s12  }
0x2f: {  	vm0 =	vgt.s32 v4, v1  }
0x30: {  	v3 =	vnsel vm0, $0x0, v3;
	_ =	sdelay $0x4  }
0x31: {  	v4 =	vld.idx.msk [tilespmem:v3+s4+$0x0], vm0;
	_ =	sdelay $0x4  }
0x32: {  	vm1 =	vgt.s32 v4, $0xFFFFFFFF  }
0x33: {  	vm1 =	vmand vm0, vm1  }
0x34: {  	v4 =	vnsel vm1, $0x0, v4;
	_ =	sdelay $0x4  }
0x35: {  	v5 =	vld.idx.msk [tilespmem:v4+s6+$0x0], vm1;
	_ =	sdelay $0x4  }
0x36: {  	vm2 =	veq.s32 v5, $0x0  }
0x37: {  	vm1 =	vmand vm1, vm2;
	_ =	sdelay $0x5  }
0x38: {  	v3 =	vld.idx.msk [tilespmem:v3+s5+$0x0], vm0;
	[tilespmem:v4+s7+$0x0] =	vst.idx.msk vm1, v1  }
0x39: {  	v58 =	vld.idx.msk [tilespmem:v4+s7+$0x0], vm1;
	_ =	sdelay $0x4  }
0x3a: {  	vm12 =	veq.s32 v58, v1  }
0x3b: {  	vm1 =	vmand vm1, vm12  }
0x3c: {  	v59 =	vsel vm1, $0x1, v0  }
0x3d: {  	(xrf0) =	vadd.scan.msk.s32 $0xffff, v59;
	_ =	sdelay $0x2  }
0x3e: {  	v60 =	vmov s10  }
0x3f: {  	v5 =	vadd.s32 $0xFFFFFFFF, v60  }
0x40: {  	v5 =	vbroadcast v5, $0x0  }
0x41: {  	v6, _, _ =	vpop (xrf0)  }
0x42: {  	vm13 =	vgt.s32 v3, $0xFFFFFFFF;
	v5 =	vadd.s32 v6, v5  }
0x43: {  	vm0 =	vmand vm0, vm13;
	v5 =	vnsel vm1, $0x0, v5  }
0x44: {  	v3 =	vnsel vm0, $0x0, v3;
	_ =	sdelay $0x2  }
0x45: {  	[tilespmem:v4+s6+$0x0] =	vst.idx.msk vm1, v2  }
0x46: {  	[tilespmem:v5+s9+$0x0] =	vst.idx.msk vm1, v4  }
0x47: {  	v4 =	vld.idx.msk [tilespmem:v3+s6+$0x0], vm0;
	_ =	sdelay $0x4  }
0x48: {  	vm14 =	veq.s32 v4, $0x0  }
0x49: {  	vm0 =	vmand vm0, vm14;
	_ =	sdelay $0x5  }
0x4a: {  	[tilespmem:v3+s7+$0x0] =	vst.idx.msk vm0, v1  }
0x4b: {  	v61 =	vld.idx.msk [tilespmem:v3+s7+$0x0], vm0;
	_ =	sdelay $0x3  }
0x4c: {  	(v2sf) =	vpush v6, $0xF  }
0x4d: {  	vm15 =	veq.s32 v61, v1  }
0x4e: {  	vm0 =	vmand vm0, vm15  }
0x4f: {  	v62 =	vsel vm0, $0x1, v0  }
0x50: {  	(xrf0) =	vadd.scan.msk.s32 $0xffff, v62;
	_ =	sdelay $0x5  }
0x51: {  	v4, _, _ =	vpop (xrf0)  }
0x52: {  	(v2sf) =	vpush v4, $0xF;
	_ =	sdelay $0x3  }
0x53: {  	s14 =	spop (v2sf)  }
0x54: {  	s30 =	sadd.s32 s10, s14  }
0x55: {  	v63 =	vmov s30  }
0x56: {  	v5 =	vadd.s32 $0xFFFFFFFF, v63  }
0x57: {  	v5 =	vbroadcast v5, $0x0;
	_ =	sdelay $0x1  }
0x58: {  	v4 =	vadd.s32 v4, v5  }
0x59: {  	p0 =	sne.s32 s11, $0x1;
	v4 =	vnsel vm0, $0x0, v4  }
.Ltmp6:
0x5a: {  	_ = 	snop;
	(pc) =	sbr.rel @p0 .LBB2_6-.Ltmp6, $3  }
0x5b: {  	_ =	sdelay $0x1  }
0x5c: {  	s13 =	sadd.s32 $0x10, s13;
	[tilespmem:v3+s6+$0x0] =	vst.idx.msk vm0, v2;
	s31 =	spop (v2sf)  }
0x5d: {  	s12 =	sadd.s32 $0xFFFFFFF0, s12;
	s11 =	sadd.s32 $0xFFFFFFFF, s11;
	[tilespmem:v4+s9+$0x0] =	vst.idx.msk vm0, v3;
	s10 =	sadd.s32 s30, s31  }
.LBB2_7:
0x5e: {  	s11 =	sadd.s32 $0xF, s10  }
0x5f: {  	s12 =	sand.u32 $0xF, s11  }
0x60: {  	s13 =	sshra.s32 s11, $0x1F;
	p0 =	slt.s32 s11, $0x1;
	p1 =	sne.s32 s12, $0x0  }
0x61: {  	s31 =	sshrl.u32 s13, $0x1C;
	p0 =	por !p0, !p1  }
0x62: {  	s12 =	simm.s32 $0x1;
	s11 =	sadd.s32 s31, s11;
	p0 =	por !p0, !p0  }
0x63: {  	s11 =	sshra.s32 s11, $0x4;
	s12 =	simm.s32 @!p0 $0x0  }
0x64: {  	s12 =	ssub.s32 s11, s12  }
0x65: {  	p0 =	slt.s32 s12, $0x1  }
.Ltmp7:
0x66: {  	_ = 	snop;
	(pc) =	sbr.rel @p0 .LBB2_10-.Ltmp7, $1  }
0x67: {  	_ =	sdelay $0x3  }
0x68: {  	s11 =	simm.s32 $0x6000  }
0x69: {  	p0 =	sne.s32 s12, $0x1;
	v3 =	vld [tilespmem:s11+$0x0]  }
.Ltmp8:
0x6a: {  	_ = 	snop;
	(pc) =	sbr.rel @!p0 .LBB2_10-.Ltmp8, $3  }
0x6b: {  	_ =	sdelay $0x1  }
0x6c: {  	s11 =	simm.s32 $0x4000  }
0x6d: {  	s12 =	sadd.s32 $0xFFFFFFFF, s12;
	s13 =	simm.s32 $0x6010;
	[tilespmem:s11+$0x0] =	vst v3  }
.LBB2_9:
0x6e: {  	v3 =	vld [tilespmem:s13+$0x0];
	p0 =	sne.s32 s12, $0x1;
	s12 =	sadd.s32 $0xFFFFFFFF, s12  }
.Ltmp9:
0x6f: {  	(pc) =	sbr.rel @p0 .LBB2_9-.Ltmp9, $3  }
0x70: {  	_ =	sdelay $0x1  }
0x71: {  	s11 =	sadd.s32 $0x10, s11  }
0x72: {  	s13 =	sadd.s32 $0x10, s13;
	[tilespmem:s11+$0x0] =	vst v3  }
.Ltmp10:
0x73: {  	_ = 	snop;
	(pc) =	sbr.rel .LBB2_10-.Ltmp10, $1  }
0x74: {  	_ =	sdelay $0x3  }
.LBB2_11:
0x75: {  	v0 =	vmov s8  }
0x76: {  	s4 =	simm.s32 $0x0;
	s5 =	simm.s32 $0x8000;
	s30 =	simm.s32 $0x1;
	[tilespmem:$0xE000] =	vst v0  }
0x77: {  	[hbm4b:s3+s4] =	stream.linear.scatter [tilespmem:s5], [sflag:$0x1], $0x2000, $0x38;
	[tilespmem:$0xE080] =	vst v63  }
0x78: {  	_ =	swait.ge [sflag:s30], $0x2000  }
0x79: {  	[sflag:s30] =	ssyncset.done $0x0  }
.Ltmp11:
0x7a: {  	s31 =	simm.s32 $0xE000;
	[sflag:s30] =	ssyncadd.s32 $0xFFFFE000;
	(pc) =	sbr.rel .LBB2_19-.Ltmp11, $4  }
0x7b: {  	[hbm4b:s2+s4] =	stream.linear.scatter [tilespmem:s31], [sflag:$0x1], $0x80, $0x38;
	[tilespmem:$0xE080] =	vst v63  }
0x7c: {  	_ =	swait.ge [sflag:s30], $0x80  }
0x7d: {  	[sflag:s30] =	ssyncset.done $0x0  }
0x7e: {  	[sflag:s30] =	ssyncadd.s32 $0xFFFFFF80  }
.LBB2_12:
0x7f: {  	s2 =	simm.s32 $0x0;
	s3 =	simm.s32 $0x1  }
0x80: {  	[tilespmem:s2], [sflag:$0x1] =	stream.linear.gather [hbm4b:s8+s2], $0x2000, $0x38;
	[tilespmem:$0xE080] =	vst v63  }
0x81: {  	_ =	swait.ge [sflag:s3], $0x2000  }
0x82: {  	[sflag:s3] =	ssyncset.done $0x0  }
0x83: {  	s30 =	simm.s32 $0x2000;
	[sflag:s3] =	ssyncadd.s32 $0xFFFFE000  }
0x84: {  	[tilespmem:s30], [sflag:$0x1] =	stream.linear.gather [hbm4b:s6+s2], $0x2000, $0x38;
	[tilespmem:$0xE080] =	vst v63  }
0x85: {  	_ =	swait.ge [sflag:s3], $0x2000  }
0x86: {  	[sflag:s3] =	ssyncset.done $0x0  }
.Ltmp12:
0x87: {  	s31 =	simm.s32 $0xA000;
	[sflag:s3] =	ssyncadd.s32 $0xFFFFE000;
	(pc) =	sbr.rel .LBB2_13-.Ltmp12, $4  }
0x88: {  	[tilespmem:s31], [sflag:$0x1] =	stream.linear.gather [hbm4b:s7+s2], $0x2000, $0x38;
	[tilespmem:$0xE080] =	vst v63  }
0x89: {  	_ =	swait.ge [sflag:s3], $0x2000  }
0x8a: {  	v0 =	vlaneseq.u32;
	[sflag:s3] =	ssyncset.done $0x0  }
0x8b: {  	v1 =	vimm.s32 $0x0;
	v2 =	vimm.f32 $0.0e+00;
	v3 =	vimm.f32 $1.000000000e+00;
	[sflag:s3] =	ssyncadd.s32 $0xFFFFE000;
	s3 =	simm.s32 $0x8000  }
.LBB2_17:
0x8c: {  	s2 =	sadd.s32 $0x1, s2  }
0x8d: {  	p0 =	sne.s32 s2, $0x100  }
.Ltmp13:
0x8e: {  	_ = 	snop;
	(pc) =	sbr.rel @!p0 .LBB2_18-.Ltmp13, $4  }
0x8f: {  	_ = 	snop  }
0x90: {  	v4 =	vand.u32 $0x1, v8;
	v5 =	vshrl.u32 v8, $0x1  }
0x91: {  	[tilespmem:s8+$0x4000] =	vst v4;
	v4 =	vand.u32 $0x1, v5  }
0x92: {  	[tilespmem:s8+$0x6000] =	vst v4  }
.LBB2_13:
0x93: {  	s6 =	sshll.u32 s2, $0x5  }
0x94: {  	s7 =	ssub.s32 $0x1FF0, s6  }
0x95: {  	s8 =	ssub.s32 $0x3FF0, s6;
	v6 =	vld [tilespmem:s7+$0x0]  }
0x96: {  	v7 =	vld [tilespmem:s8+$0x0];
	_ =	sdelay $0x2  }
0x97: {  	v4 =	vor.u32 s7, v0  }
0x98: {  	s31 =	ssub.s32 $0x2000, s6;
	vm2 =	vgt.s32 v6, v4  }
0x99: {  	vm3 =	vgt.s32 v7, v4;
	vm0 =	vlt.s32 v6, s31;
	vm1 =	vlt.s32 v7, s31  }
0x9a: {  	vm0 =	vmand vm2, vm0;
	vm1 =	vmand vm3, vm1  }
0x9b: {  	vm0 =	vmor vm0, vm1  }
0x9c: {  	v4 =	vsel vm0, $0x3F800000, v2  }
0x9d: {  	(xrf0) =	vmax.scan.msk.f32 $0xffff, v4;
	_ =	sdelay $0x5  }
0x9e: {  	v4, _, _ =	vpop (xrf0)  }
0x9f: {  	(v2sf) =	vpush v4, $0xF;
	_ =	sdelay $0x4  }
0xa0: {  	vm4 =	vlt.s32 v6, $0x0;
	vm5 =	vlt.s32 v7, $0x0;
	v5 =	vnsel vm2, $0x0, v6  }
0xa1: {  	v8 =	vnsel vm3, $0x0, v7;
	vm0 =	vmor vm4, vm2;
	v4 =	vsub.s32 $0x1FFF, v6  }
0xa2: {  	vm1 =	vmor vm5, vm3;
	v4 =	vsel vm4, v4, v5;
	v5 =	vsub.s32 $0x1FFF, v7  }
0xa3: {  	v5 =	vsel vm5, v5, v8;
	_ =	sdelay $0x1  }
0xa4: {  	s8 =	ssub.s32 $0x9FF0, s6  }
0xa5: {  	[tilespmem:s8+$0x0] =	vst v1  }
0xa6: {  	v8 =	vld.idx.msk [tilespmem:v4+s3+$0x0], vm0  }
0xa7: {  	v9 =	vld.idx.msk [tilespmem:v5+s3+$0x0], vm1;
	_ =	sdelay $0x1  }
0xa8: {  	s9 =	spop (v2sf)  }
0xa9: {  	p0 =	sgt.f32 s9, $0.0e+00  }
.Ltmp14:
0xaa: {  	v6 =	vshrl.u32 v6, $0x1F;
	(pc) =	sbr.rel @!p0 .LBB2_15-.Ltmp14, $4  }
0xab: {  	v7 =	vshrl.u32 v7, $0x1F;
	v8 =	vnsel vm0, $0x0, v8;
	v9 =	vnsel vm1, $0x0, v9  }
0xac: {  	v8 =	vadd.s32 v6, v8;
	v9 =	vadd.s32 v7, v9  }
0xad: {  	v8 =	vor.u32 v8, v9  }
0xae: {  	[tilespmem:s8+$0x0] =	vst v8  }
.LBB2_14:
0xaf: {  	v9 =	vld.idx.msk [tilespmem:v4+s3+$0x0], vm0  }
0xb0: {  	v10 =	vld.idx.msk [tilespmem:v5+s3+$0x0], vm1;
	_ =	sdelay $0x4  }
0xb1: {  	v9 =	vnsel vm0, $0x0, v9;
	v10 =	vnsel vm1, $0x0, v10  }
0xb2: {  	v9 =	vadd.s32 v6, v9;
	v10 =	vadd.s32 v7, v10  }
0xb3: {  	v9 =	vor.u32 v9, v10  }
0xb4: {  	vm2 =	veq.s32 v9, v8  }
0xb5: {  	v8 =	vsel vm2, $0x0, v3  }
0xb6: {  	(xrf0) =	vmax.scan.msk.f32 $0xffff, v8;
	_ =	sdelay $0x5  }
0xb7: {  	v8, _, _ =	vpop (xrf0)  }
0xb8: {  	(v2sf) =	vpush v8, $0xF;
	_ =	sdelay $0xe  }
0xb9: {  	s9 =	spop (v2sf)  }
0xba: {  	p0 =	sgt.f32 s9, $0.0e+00  }
.Ltmp15:
0xbb: {  	_ = 	snop;
	(pc) =	sbr.rel @p0 .LBB2_14-.Ltmp15, $2  }
0xbc: {  	_ =	sdelay $0x2  }
0xbd: {  	[tilespmem:s8+$0x0] =	vst v9;
	v8 =	vmov v9  }
.LBB2_15:
0xbe: {  	v4 =	vand.u32 $0x1, v8;
	v5 =	vshrl.u32 v8, $0x1  }
0xbf: {  	[tilespmem:s7+$0x4000] =	vst v4;
	v4 =	vand.u32 $0x1, v5  }
0xc0: {  	s8 =	ssub.s32 $0x1FE0, s6;
	[tilespmem:s7+$0x6000] =	vst v4  }
0xc1: {  	s9 =	ssub.s32 $0x3FE0, s6;
	v6 =	vld [tilespmem:s8+$0x0]  }
0xc2: {  	v7 =	vld [tilespmem:s9+$0x0];
	_ =	sdelay $0x2  }
0xc3: {  	v4 =	vor.u32 s8, v0  }
0xc4: {  	v5 =	vmov s7;
	vm2 =	vgt.s32 v6, v4  }
0xc5: {  	vm3 =	vgt.s32 v7, v4;
	vm0 =	vlt.s32 v6, v5;
	vm1 =	vlt.s32 v7, v5  }
0xc6: {  	vm0 =	vmand vm2, vm0;
	vm1 =	vmand vm3, vm1  }
0xc7: {  	vm0 =	vmor vm0, vm1  }
0xc8: {  	v4 =	vsel vm0, $0x3F800000, v2  }
0xc9: {  	(xrf0) =	vmax.scan.msk.f32 $0xffff, v4;
	_ =	sdelay $0x5  }
0xca: {  	v4, _, _ =	vpop (xrf0)  }
0xcb: {  	(v2sf) =	vpush v4, $0xF;
	_ =	sdelay $0x4  }
0xcc: {  	vm4 =	vlt.s32 v6, $0x0;
	vm5 =	vlt.s32 v7, $0x0;
	v5 =	vnsel vm2, $0x0, v6  }
0xcd: {  	v8 =	vnsel vm3, $0x0, v7;
	vm0 =	vmor vm4, vm2;
	v4 =	vsub.s32 $0x1FFF, v6  }
0xce: {  	vm1 =	vmor vm5, vm3;
	v4 =	vsel vm4, v4, v5;
	v5 =	vsub.s32 $0x1FFF, v7  }
0xcf: {  	v5 =	vsel vm5, v5, v8;
	_ =	sdelay $0x1  }
0xd0: {  	s6 =	ssub.s32 $0x9FE0, s6  }
0xd1: {  	[tilespmem:s6+$0x0] =	vst v1  }
0xd2: {  	v8 =	vld.idx.msk [tilespmem:v4+s3+$0x0], vm0  }
0xd3: {  	v9 =	vld.idx.msk [tilespmem:v5+s3+$0x0], vm1;
	_ =	sdelay $0x1  }
0xd4: {  	s31 =	spop (v2sf)  }
0xd5: {  	p0 =	sgt.f32 s31, $0.0e+00  }
.Ltmp16:
0xd6: {  	v6 =	vshrl.u32 v6, $0x1F;
	(pc) =	sbr.rel @!p0 .LBB2_17-.Ltmp16, $4  }
0xd7: {  	v7 =	vshrl.u32 v7, $0x1F;
	v8 =	vnsel vm0, $0x0, v8;
	v9 =	vnsel vm1, $0x0, v9  }
0xd8: {  	v8 =	vadd.s32 v6, v8;
	v9 =	vadd.s32 v7, v9  }
0xd9: {  	v8 =	vor.u32 v8, v9  }
0xda: {  	[tilespmem:s6+$0x0] =	vst v8  }
.LBB2_16:
0xdb: {  	v9 =	vld.idx.msk [tilespmem:v4+s3+$0x0], vm0  }
0xdc: {  	v10 =	vld.idx.msk [tilespmem:v5+s3+$0x0], vm1;
	_ =	sdelay $0x4  }
0xdd: {  	v9 =	vnsel vm0, $0x0, v9;
	v10 =	vnsel vm1, $0x0, v10  }
0xde: {  	v9 =	vadd.s32 v6, v9;
	v10 =	vadd.s32 v7, v10  }
0xdf: {  	v9 =	vor.u32 v9, v10  }
0xe0: {  	vm2 =	veq.s32 v9, v8  }
0xe1: {  	v8 =	vsel vm2, $0x0, v3  }
0xe2: {  	(xrf0) =	vmax.scan.msk.f32 $0xffff, v8;
	_ =	sdelay $0x5  }
0xe3: {  	v8, _, _ =	vpop (xrf0)  }
0xe4: {  	(v2sf) =	vpush v8, $0xF;
	_ =	sdelay $0xe  }
0xe5: {  	s7 =	spop (v2sf)  }
0xe6: {  	p0 =	sgt.f32 s7, $0.0e+00  }
.Ltmp17:
0xe7: {  	_ = 	snop;
	(pc) =	sbr.rel @p0 .LBB2_16-.Ltmp17, $2  }
0xe8: {  	_ =	sdelay $0x2  }
0xe9: {  	[tilespmem:s6+$0x0] =	vst v9;
	v8 =	vmov v9  }
.Ltmp18:
0xea: {  	_ = 	snop;
	(pc) =	sbr.rel .LBB2_17-.Ltmp18, $1  }
0xeb: {  	_ =	sdelay $0x3  }
.LBB2_18:
0xec: {  	s2 =	simm.s32 $0x0;
	s3 =	simm.s32 $0x4000;
	s30 =	simm.s32 $0x1  }
0xed: {  	[hbm4b:s5+s2] =	stream.linear.scatter [tilespmem:s3], [sflag:$0x1], $0x2000, $0x38;
	[tilespmem:$0xE080] =	vst v63  }
0xee: {  	_ =	swait.ge [sflag:s30], $0x2000  }
0xef: {  	[sflag:s30] =	ssyncset.done $0x0  }
0xf0: {  	s31 =	simm.s32 $0x6000;
	[sflag:s30] =	ssyncadd.s32 $0xFFFFE000  }
0xf1: {  	[hbm4b:s4+s2] =	stream.linear.scatter [tilespmem:s31], [sflag:$0x1], $0x2000, $0x38;
	[tilespmem:$0xE080] =	vst v63  }
0xf2: {  	_ =	swait.ge [sflag:s30], $0x2000  }
0xf3: {  	[sflag:s30] =	ssyncset.done $0x0  }
0xf4: {  	[sflag:s30] =	ssyncadd.s32 $0xFFFFE000  }
.LBB2_19:
0xf5: {  	_ =	sfence.sel $0x180000  }
0xf6: {  	[bflag:$0x0] =	sbarrier.arrive $0xFFFF  }
0xf7: {  	p0 =	sne.s32 s1, $0x0;
	_ =	strace $0x90000047  }
0xf8: {  	s0 =	sadd.s32 @!p0 $0x100000, s0;
	[bflag:$0x2] =	sbarrier.arrive $0xFFFF  }
0xf9: {  	[sflag:s0] =	ssyncadd.tile.s32 @!p0 $0x1;
	_ =	shalt  }
.Lfunc_end2:
_tile_overlayer_lowered:
.L_overlay_start_2:
0xfa: {  	(tag) =	ssettag $0x2  }
0xfb: {  	s0 =	rddreg [dreg:$0x0];
	s2 =	stileid.u32  }
0xfc: {  	s1 =	rddreg [dreg:$0x1];
	p0 =	sne.s32 s2, $0x0  }
0xfd: {  	s3 =	rddreg [dreg:$0x2];
	[bflag:$0x3] =	sbarrier.arrive $0xFFFF;
	s2 =	simm.s32 @!p0 $0x1C01  }
0xfe: {  	[timem:s3], [sflag:s2] =	dma.local @!p0 [hbm:s0], s1  }
0xff: {  	s0 =	simm.s32 @!p0 $0x1  }
0x100: {  	_ =	swait.ge @!p0 [sflag:s0], s1  }
0x101: {  	s1 =	ssub.s32 @!p0 $0x0, s1;
	[sflag:s0] =	ssyncset.done @!p0 $0x0  }
0x102: {  	[sflag:s0] =	ssyncadd.s32 @!p0 s1  }
0x103: {  	[bflag:$0x3] =	sbarrier.arrive $0xFFFF  }
0x104: {  	_ =	shalt  }

</sc_bundles>
